<compile_context>
chip_gen: v7x
topology: tpu7x:2x2x1
jax: 0.10.2.dev20260603
libtpu: 0.0.44.dev20260713+nightly
codegen_flags: <defaults>
</compile_context>

<pallas_src>
import functools

import jax
import jax.numpy as jnp
from jax import lax
from jax.experimental import pallas as pl
from jax.experimental.pallas import tpu as pltpu
from jax.experimental.pallas import tpu_sc as plsc

NUM_ENT = 1000000
ENT_DIM = 128
HIDDEN_DIM = 256
NUM_LAYERS = 2
B = 4096

_NC = 2
_NS = 16
_NW = _NC * _NS
_BPW = B // _NW

@functools.lru_cache(maxsize=None)
def _make_sc_kernels():
    mesh = plsc.VectorSubcoreMesh(
        core_axis_name="c", subcore_axis_name="s", num_cores=_NC, num_subcores=_NS
    )

    @functools.partial(
        pl.kernel,
        mesh=mesh,
        out_type=jax.ShapeDtypeStruct((B, ENT_DIM), jnp.float32),
        scratch_types=[
            pltpu.VMEM((_BPW,), jnp.int32),
            pltpu.VMEM((_BPW, ENT_DIM), jnp.float32),
            pltpu.SemaphoreType.DMA,
        ],
    )
    def sc_gather(table_hbm, idx_hbm, out_hbm, idx_v, rows_v, sem):
        wid = lax.axis_index("s") * _NC + lax.axis_index("c")
        base = wid * _BPW
        pltpu.sync_copy(idx_hbm.at[pl.ds(base, _BPW)], idx_v)
        pltpu.async_copy(table_hbm.at[idx_v], rows_v, sem).wait()
        pltpu.sync_copy(rows_v, out_hbm.at[pl.ds(base, _BPW)])

    _CH = 488
    _ROWS_PER_W = 31232
    _PAIRS = (_ROWS_PER_W // _CH) // 2
    _LAST_BASE = (_NW - 1) * _ROWS_PER_W + _ROWS_PER_W
    _TAIL1 = 488
    _TAIL2 = NUM_ENT - _LAST_BASE - _TAIL1

    @functools.partial(
        pl.kernel,
        mesh=mesh,
        out_type=jax.ShapeDtypeStruct((NUM_ENT, ENT_DIM), jnp.float32),
        scratch_types=[
            pltpu.VMEM((_CH, ENT_DIM), jnp.float32),
            pltpu.VMEM((_CH, ENT_DIM), jnp.float32),
            pltpu.SemaphoreType.DMA,
            pltpu.SemaphoreType.DMA,
            pltpu.SemaphoreType.DMA,
            pltpu.SemaphoreType.DMA,
        ],
    )
    def sc_copy(table_hbm, out_hbm, buf_a, buf_b, rs_a, rs_b, ws_a, ws_b):
        wid = lax.axis_index("s") * _NC + lax.axis_index("c")
        base = pl.multiple_of(wid * _ROWS_PER_W, 8)

        def pair(j, _):
            o_a = pl.multiple_of(base + (2 * j) * _CH, 8)
            o_b = pl.multiple_of(base + (2 * j + 1) * _CH, 8)
            ra = pltpu.make_async_copy(table_hbm.at[pl.ds(o_a, _CH)], buf_a, rs_a)
            rb = pltpu.make_async_copy(table_hbm.at[pl.ds(o_b, _CH)], buf_b, rs_b)
            ra.start()
            rb.start()
            ra.wait()
            wa = pltpu.make_async_copy(buf_a, out_hbm.at[pl.ds(o_a, _CH)], ws_a)
            wa.start()
            rb.wait()
            wb = pltpu.make_async_copy(buf_b, out_hbm.at[pl.ds(o_b, _CH)], ws_b)
            wb.start()
            wa.wait()
            wb.wait()
            return _

        lax.fori_loop(0, _PAIRS, pair, 0)

        @pl.when(wid == _NW - 1)
        def _():
            t1 = pl.ds(_LAST_BASE, _TAIL1)
            pltpu.sync_copy(table_hbm.at[t1], buf_a)
            pltpu.sync_copy(buf_a, out_hbm.at[t1])
            t2 = pl.ds(_LAST_BASE + _TAIL1, _TAIL2)
            pltpu.sync_copy(table_hbm.at[t2], buf_b.at[pl.ds(0, _TAIL2)])
            pltpu.sync_copy(buf_b.at[pl.ds(0, _TAIL2)], out_hbm.at[t2])

    @functools.partial(
        pl.kernel,
        mesh=mesh,
        out_type=(),
        scratch_types=[
            pltpu.VMEM((_BPW,), jnp.int32),
            pltpu.VMEM((_BPW, ENT_DIM), jnp.float32),
            pltpu.SemaphoreType.DMA,
        ],
    )
    def sc_scatter(rows_hbm, idx_hbm, table_ref, idx_v, rows_v, sem):
        wid = lax.axis_index("s") * _NC + lax.axis_index("c")
        base = wid * _BPW
        pltpu.sync_copy(idx_hbm.at[pl.ds(base, _BPW)], idx_v)
        pltpu.sync_copy(rows_hbm.at[pl.ds(base, _BPW)], rows_v)
        pltpu.async_copy(rows_v, table_ref.at[idx_v], sem).wait()

    return sc_gather, sc_scatter, sc_copy


def _gate_body(x_ref, win_ref, prev_ref, gw_ref, gb_ref, mult_ref, out_ref):
    x = x_ref[...]
    norm = jnp.maximum(jnp.sum(jnp.abs(x), axis=-1, keepdims=True), 1e-12)
    e = jnp.dot(x / norm, win_ref[...], preferred_element_type=jnp.float32)
    prev = prev_ref[...] * mult_ref[...]
    g = jax.nn.sigmoid(
        jnp.dot(e, gw_ref[0], preferred_element_type=jnp.float32)
        + jnp.dot(prev, gw_ref[1], preferred_element_type=jnp.float32)
        + gb_ref[...]
    )
    out_ref[...] = g * e + (1.0 - g) * prev


def _tc_gate(x, win, prev, gw2, gb, mult):
    return pl.pallas_call(
        _gate_body,
        out_shape=jax.ShapeDtypeStruct((B, ENT_DIM), jnp.float32),
        compiler_params=pltpu.CompilerParams(vmem_limit_bytes=100 * 1024 * 1024),
    )(x, win, prev, gw2, gb, mult)


_BR = 512
_NBLK = B // _BR


def _layers_body(adj_ref, h0_ref, w1_ref, w2_ref, out_ref,
                 abf_ref, h1_ref, rinv_ref):
    i = pl.program_id(0)

    @pl.when(i < _NBLK)
    def _():
        a = adj_ref[...]
        abf_ref[pl.ds(i * _BR, _BR), :] = a.astype(jnp.bfloat16)
        rinv = 1.0 / (jnp.sum(a, axis=-1, keepdims=True) + 1e-6)
        rinv_ref[pl.ds(i * _BR, _BR), :] = rinv
        m = jnp.dot(a, h0_ref[...], preferred_element_type=jnp.float32) * rinv
        z = jnp.maximum(
            jnp.dot(m, w1_ref[0], preferred_element_type=jnp.float32), 0.0)
        h1_ref[pl.ds(i * _BR, _BR), :] = h0_ref[pl.ds(i * _BR, _BR), :] + jnp.dot(
            z, w2_ref[0], preferred_element_type=jnp.float32)

    @pl.when(i >= _NBLK)
    def _():
        j = i - _NBLK
        a16 = abf_ref[pl.ds(j * _BR, _BR), :]
        m = jnp.dot(a16, h1_ref[...].astype(jnp.bfloat16),
                    preferred_element_type=jnp.float32)
        m = m * rinv_ref[pl.ds(j * _BR, _BR), :]
        z = jnp.maximum(
            jnp.dot(m, w1_ref[1], preferred_element_type=jnp.float32), 0.0)
        out_ref[...] = h1_ref[pl.ds(j * _BR, _BR), :] + jnp.dot(
            z, w2_ref[1], preferred_element_type=jnp.float32)


def _tc_layers(adj, h, w1, w2):
    return pl.pallas_call(
        _layers_body,
        out_shape=jax.ShapeDtypeStruct((B, ENT_DIM), jnp.float32),
        grid=(2 * _NBLK,),
        in_specs=[
            pl.BlockSpec((_BR, B), lambda i: (jnp.minimum(i, _NBLK - 1), 0)),
            pl.BlockSpec((B, ENT_DIM), lambda i: (0, 0)),
            pl.BlockSpec((NUM_LAYERS, ENT_DIM, HIDDEN_DIM), lambda i: (0, 0, 0)),
            pl.BlockSpec((NUM_LAYERS, HIDDEN_DIM, ENT_DIM), lambda i: (0, 0, 0)),
        ],
        out_specs=pl.BlockSpec(
            (_BR, ENT_DIM), lambda i: (jnp.maximum(i - _NBLK, 0), 0)),
        scratch_shapes=[
            pltpu.VMEM((B, B), jnp.bfloat16),
            pltpu.VMEM((B, ENT_DIM), jnp.float32),
            pltpu.VMEM((B, 1), jnp.float32),
        ],
        compiler_params=pltpu.CompilerParams(
            dimension_semantics=("arbitrary",),
            vmem_limit_bytes=62 * 1024 * 1024,
        ),
    )(adj, h, w1, w2)


def kernel(ent_relational_fearues, batch_ent_idxs, relational_adj_matrices,
           re_ratio, memory_cells, Win_W, gate_W, gate_b, layer_W1, layer_W2):
    idxs = batch_ent_idxs.astype(jnp.int32)

    n = B
    num_re = jnp.floor(n * jnp.asarray(re_ratio, dtype=jnp.float32)).astype(jnp.int32)
    perm = jax.random.permutation(jax.random.key(42), n)
    keep = jnp.where(jnp.arange(n) < num_re, 0.0, 1.0).astype(jnp.float32)
    row_mult = jnp.ones((n,), dtype=jnp.float32).at[perm].set(keep)
    mult = row_mult[:, None]

    sc_gather, sc_scatter, sc_copy = _make_sc_kernels()
    prev = sc_gather(memory_cells, idxs)

    gw2 = gate_W.reshape(2, ENT_DIM, ENT_DIM)
    memory_out = _tc_gate(ent_relational_fearues, Win_W, prev, gw2, gate_b, mult)

    copied = sc_copy(memory_cells)

    h = _tc_layers(relational_adj_matrices, memory_out, layer_W1, layer_W2)

    table_ref = jax.new_ref(copied)
    sc_scatter(memory_out, idxs, table_ref)
    new_memory_cells = jax.freeze(table_ref)
    return h, new_memory_cells

# --- scband reference (transcript-rebuilt; emitter-appended) ---
"""Pipeline reference for scband-sal-t-4544075399566 (READ-ONLY COPY).

The authoritative reference and input builder live on the scoring server;
editing this copy changes nothing except your own understanding.
"""

import jax, jax.numpy as jnp
import numpy as np

NUM_ENT = 1000000
NUM_REL = 200
ENT_DIM = 128
HIDDEN_DIM = 256
NUM_LAYERS = 2
B = 4096

def setup_inputs(seed=0) -> dict:
    key = jax.random.key(seed)
    ks = jax.random.split(key, 10)
    inp = {}
    inp['ent_relational_fearues'] = jax.random.normal(ks[0], (B, 2 * NUM_REL), dtype=jnp.float32)
    inp['batch_ent_idxs'] = jax.random.randint(ks[1], (B,), 0, NUM_ENT, dtype=jnp.int64)
    inp['relational_adj_matrices'] = jax.random.uniform(ks[2], (B, B), dtype=jnp.float32)
    inp['re_ratio'] = 0.5
    inp['memory_cells'] = jax.random.normal(ks[3], (NUM_ENT, ENT_DIM), dtype=jnp.float32) * 0.02
    inp['Win_W'] = jax.random.normal(ks[4], (2 * NUM_REL, ENT_DIM), dtype=jnp.float32) * (1.0 / np.sqrt(2 * NUM_REL))
    inp['gate_W'] = jax.random.normal(ks[5], (2 * ENT_DIM, ENT_DIM), dtype=jnp.float32) * (1.0 / np.sqrt(2 * ENT_DIM))
    inp['gate_b'] = jnp.zeros((ENT_DIM,), dtype=jnp.float32)
    inp['layer_W1'] = jax.random.normal(ks[6], (NUM_LAYERS, ENT_DIM, HIDDEN_DIM), dtype=jnp.float32) * (1.0 / np.sqrt(ENT_DIM))
    inp['layer_W2'] = jax.random.normal(ks[7], (NUM_LAYERS, HIDDEN_DIM, ENT_DIM), dtype=jnp.float32) * (1.0 / np.sqrt(HIDDEN_DIM))
    return inp


def reference(ent_relational_fearues, batch_ent_idxs, relational_adj_matrices, re_ratio,
              memory_cells, Win_W, gate_W, gate_b, layer_W1, layer_W2):
    # F.normalize(p=1, dim=-1)
    x = ent_relational_fearues
    norm = jnp.maximum(jnp.sum(jnp.abs(x), axis=-1, keepdims=True), 1e-12)
    ent_input_features = x / norm
    ent_embs = ent_input_features @ Win_W  # Win (no bias)

    # gather from big memory table
    previous_ent_embs = jnp.take(memory_cells, batch_ent_idxs, axis=0)

    # zero out a random subset (randperm[:num_re]); re_ratio is a static python float
    n = batch_ent_idxs.shape[0]
    num_re = jnp.floor(n * jnp.asarray(re_ratio, dtype=jnp.float32)).astype(jnp.int32)
    perm = jax.random.permutation(jax.random.key(42), n)
    keep = jnp.where(jnp.arange(n) < num_re, 0.0, 1.0).astype(previous_ent_embs.dtype)
    row_mult = jnp.ones((n,), dtype=previous_ent_embs.dtype).at[perm].set(keep)
    previous_ent_embs = previous_ent_embs * row_mult[:, None]

    # AdaptiveGate: GRU-style convex gate between new embedding and memory
    g = jax.nn.sigmoid(jnp.concatenate([ent_embs, previous_ent_embs], axis=-1) @ gate_W + gate_b)
    ent_embs = g * ent_embs + (1.0 - g) * previous_ent_embs
    memory_out = ent_embs

    # scatter-overwrite updated (detached) cells back into the memory table
    new_memory_cells = memory_cells.at[batch_ent_idxs].set(jax.lax.stop_gradient(memory_out))

    # RelationTrans layers: normalized-adjacency message passing with MLP + residual
    adj = relational_adj_matrices
    deg = jnp.sum(adj, axis=-1, keepdims=True) + 1e-6
    adj_norm = adj / deg
    h = ent_embs
    for i in range(NUM_LAYERS):
        m = adj_norm @ h
        z = jax.nn.relu(m @ layer_W1[i])
        h = h + z @ layer_W2[i]
    return h, new_memory_cells

if __name__ == "__main__":
    import jax
    _d = setup_inputs()
    print(jax.jit(kernel)(*tuple(_d.values())))

</pallas_src>

<mosaic_0001>
#map = affine_map<(d0, d1) -> (0, 0)>
module attributes {stable_mosaic.version = 14 : i64} {
  func.func @sc_copy(%arg0: i32, %arg1: i32, %arg2: memref<1000000x128xf32, #tpu.memory_space<hbm>>, %arg3: memref<1000000x128xf32, #tpu.memory_space<hbm>>, %arg4: memref<488x128xf32, #tpu.memory_space<vmem>>, %arg5: memref<488x128xf32, #tpu.memory_space<vmem>>, %arg6: memref<!tpu.dma_semaphore, #tpu.memory_space<semaphore_mem>>, %arg7: memref<!tpu.dma_semaphore, #tpu.memory_space<semaphore_mem>>, %arg8: memref<!tpu.dma_semaphore, #tpu.memory_space<semaphore_mem>>, %arg9: memref<!tpu.dma_semaphore, #tpu.memory_space<semaphore_mem>>) attributes {dimension_semantics = [#tpu.dimension_semantics<core_parallel>, #tpu.dimension_semantics<subcore_parallel>], iteration_bounds = array<i64: 2, 16>, scalar_prefetch = 0 : i64, scratch_operands = 6 : i64, tpu.core_type = #tpu.core_type<sc_vector_subcore>, window_params = [{transform_indices = #map}, {transform_indices = #map}]} {
    %mul3A = arith.constant 2 : i32
    %mul3A_0 = arith.muli %arg1, %mul3A : i32
    %add3A = arith.addi %mul3A_0, %arg0 : i32
    %mul3A_1 = arith.constant 31232 : i32
    %mul3A_2 = arith.muli %add3A, %mul3A_1 : i32
    %multiple_of3A = tpu.assume_multiple %mul3A_2, 8 : i32
    %scan3A = arith.constant 0 : i32
    %scan3A_3 = arith.constant 0 : i32
    %scan3A_4 = arith.constant 32 : i32
    %scan3A_5 = arith.addi %scan3A_3, %scan3A_4 : i32
    %scan3A_6 = arith.constant 1 : i32
    scf.for %scan3A_10 = %scan3A_3 to %scan3A_5 step %scan3A_6  : i32 {
      %mul3A_11 = arith.constant 2 : i32
      %mul3A_12 = arith.muli %mul3A_11, %scan3A_10 : i32
      %mul3A_13 = arith.constant 488 : i32
      %mul3A_14 = arith.muli %mul3A_12, %mul3A_13 : i32
      %add3A_15 = arith.addi %multiple_of3A, %mul3A_14 : i32
      %multiple_of3A_16 = tpu.assume_multiple %add3A_15, 8 : i32
      %mul3A_17 = arith.constant 2 : i32
      %mul3A_18 = arith.muli %mul3A_17, %scan3A_10 : i32
      %add3A_19 = arith.constant 1 : i32
      %add3A_20 = arith.addi %mul3A_18, %add3A_19 : i32
      %mul3A_21 = arith.constant 488 : i32
      %mul3A_22 = arith.muli %add3A_20, %mul3A_21 : i32
      %add3A_23 = arith.addi %multiple_of3A, %mul3A_22 : i32
      %multiple_of3A_24 = tpu.assume_multiple %add3A_23, 8 : i32
      %dma_start3A = arith.constant 0 : i32
      %dma_start3A_25 = tpu.memref_slice %arg2[%multiple_of3A_16, %dma_start3A] : memref<1000000x128xf32, #tpu.memory_space<hbm>> -> memref<488x128xf32, #tpu.memory_space<hbm>>
      %dma_start3A_26 = arith.constant 0 : i32
      %dma_start3A_27 = tpu.memref_slice %arg2[%multiple_of3A_16, %dma_start3A_26] : memref<1000000x128xf32, #tpu.memory_space<hbm>> -> memref<488x128xf32, #tpu.memory_space<hbm>>
      tpu.enqueue_dma source(%dma_start3A_27 : memref<488x128xf32, #tpu.memory_space<hbm>>) target(%arg4 : memref<488x128xf32, #tpu.memory_space<vmem>>) target_semaphore(%arg6 : memref<!tpu.dma_semaphore, #tpu.memory_space<semaphore_mem>>)
      %dma_start3A_28 = arith.constant 0 : i32
      %dma_start3A_29 = tpu.memref_slice %arg2[%multiple_of3A_24, %dma_start3A_28] : memref<1000000x128xf32, #tpu.memory_space<hbm>> -> memref<488x128xf32, #tpu.memory_space<hbm>>
      %dma_start3A_30 = arith.constant 0 : i32
      %dma_start3A_31 = tpu.memref_slice %arg2[%multiple_of3A_24, %dma_start3A_30] : memref<1000000x128xf32, #tpu.memory_space<hbm>> -> memref<488x128xf32, #tpu.memory_space<hbm>>
      tpu.enqueue_dma source(%dma_start3A_31 : memref<488x128xf32, #tpu.memory_space<hbm>>) target(%arg5 : memref<488x128xf32, #tpu.memory_space<vmem>>) target_semaphore(%arg7 : memref<!tpu.dma_semaphore, #tpu.memory_space<semaphore_mem>>)
      %dma_wait3A = arith.constant 0 : i32
      %dma_wait3A_32 = tpu.memref_slice %arg2[%multiple_of3A_16, %dma_wait3A] : memref<1000000x128xf32, #tpu.memory_space<hbm>> -> memref<488x128xf32, #tpu.memory_space<hbm>>
      %dma_wait3A_33 = arith.constant 0 : i32
      %dma_wait3A_34 = tpu.memref_slice %arg2[%multiple_of3A_16, %dma_wait3A_33] : memref<1000000x128xf32, #tpu.memory_space<hbm>> -> memref<488x128xf32, #tpu.memory_space<hbm>>
      tpu.wait_dma2 semaphore(%arg6 : memref<!tpu.dma_semaphore, #tpu.memory_space<semaphore_mem>>) src(%dma_wait3A_34 : memref<488x128xf32, #tpu.memory_space<hbm>>) dst(%arg4 : memref<488x128xf32, #tpu.memory_space<vmem>>)
      %dma_start3A_35 = arith.constant 0 : i32
      %dma_start3A_36 = tpu.memref_slice %arg3[%multiple_of3A_16, %dma_start3A_35] : memref<1000000x128xf32, #tpu.memory_space<hbm>> -> memref<488x128xf32, #tpu.memory_space<hbm>>
      %dma_start3A_37 = arith.constant 0 : i32
      %dma_start3A_38 = tpu.memref_slice %arg3[%multiple_of3A_16, %dma_start3A_37] : memref<1000000x128xf32, #tpu.memory_space<hbm>> -> memref<488x128xf32, #tpu.memory_space<hbm>>
      tpu.enqueue_dma source(%arg4 : memref<488x128xf32, #tpu.memory_space<vmem>>) target(%dma_start3A_38 : memref<488x128xf32, #tpu.memory_space<hbm>>) target_semaphore(%arg8 : memref<!tpu.dma_semaphore, #tpu.memory_space<semaphore_mem>>)
      %dma_wait3A_39 = arith.constant 0 : i32
      %dma_wait3A_40 = tpu.memref_slice %arg2[%multiple_of3A_24, %dma_wait3A_39] : memref<1000000x128xf32, #tpu.memory_space<hbm>> -> memref<488x128xf32, #tpu.memory_space<hbm>>
      %dma_wait3A_41 = arith.constant 0 : i32
      %dma_wait3A_42 = tpu.memref_slice %arg2[%multiple_of3A_24, %dma_wait3A_41] : memref<1000000x128xf32, #tpu.memory_space<hbm>> -> memref<488x128xf32, #tpu.memory_space<hbm>>
      tpu.wait_dma2 semaphore(%arg7 : memref<!tpu.dma_semaphore, #tpu.memory_space<semaphore_mem>>) src(%dma_wait3A_42 : memref<488x128xf32, #tpu.memory_space<hbm>>) dst(%arg5 : memref<488x128xf32, #tpu.memory_space<vmem>>)
      %dma_start3A_43 = arith.constant 0 : i32
      %dma_start3A_44 = tpu.memref_slice %arg3[%multiple_of3A_24, %dma_start3A_43] : memref<1000000x128xf32, #tpu.memory_space<hbm>> -> memref<488x128xf32, #tpu.memory_space<hbm>>
      %dma_start3A_45 = arith.constant 0 : i32
      %dma_start3A_46 = tpu.memref_slice %arg3[%multiple_of3A_24, %dma_start3A_45] : memref<1000000x128xf32, #tpu.memory_space<hbm>> -> memref<488x128xf32, #tpu.memory_space<hbm>>
      tpu.enqueue_dma source(%arg5 : memref<488x128xf32, #tpu.memory_space<vmem>>) target(%dma_start3A_46 : memref<488x128xf32, #tpu.memory_space<hbm>>) target_semaphore(%arg9 : memref<!tpu.dma_semaphore, #tpu.memory_space<semaphore_mem>>)
      %dma_wait3A_47 = arith.constant 0 : i32
      %dma_wait3A_48 = tpu.memref_slice %arg3[%multiple_of3A_16, %dma_wait3A_47] : memref<1000000x128xf32, #tpu.memory_space<hbm>> -> memref<488x128xf32, #tpu.memory_space<hbm>>
      %dma_wait3A_49 = arith.constant 0 : i32
      %dma_wait3A_50 = tpu.memref_slice %arg3[%multiple_of3A_16, %dma_wait3A_49] : memref<1000000x128xf32, #tpu.memory_space<hbm>> -> memref<488x128xf32, #tpu.memory_space<hbm>>
      tpu.wait_dma2 semaphore(%arg8 : memref<!tpu.dma_semaphore, #tpu.memory_space<semaphore_mem>>) src(%arg4 : memref<488x128xf32, #tpu.memory_space<vmem>>) dst(%dma_wait3A_50 : memref<488x128xf32, #tpu.memory_space<hbm>>)
      %dma_wait3A_51 = arith.constant 0 : i32
      %dma_wait3A_52 = tpu.memref_slice %arg3[%multiple_of3A_24, %dma_wait3A_51] : memref<1000000x128xf32, #tpu.memory_space<hbm>> -> memref<488x128xf32, #tpu.memory_space<hbm>>
      %dma_wait3A_53 = arith.constant 0 : i32
      %dma_wait3A_54 = tpu.memref_slice %arg3[%multiple_of3A_24, %dma_wait3A_53] : memref<1000000x128xf32, #tpu.memory_space<hbm>> -> memref<488x128xf32, #tpu.memory_space<hbm>>
      tpu.wait_dma2 semaphore(%arg9 : memref<!tpu.dma_semaphore, #tpu.memory_space<semaphore_mem>>) src(%arg5 : memref<488x128xf32, #tpu.memory_space<vmem>>) dst(%dma_wait3A_54 : memref<488x128xf32, #tpu.memory_space<hbm>>)
    }
    %scan3A_7 = arith.constant 32 : i32
    %eq3A = arith.constant 31 : i32
    %eq3A_8 = arith.cmpi eq, %add3A, %eq3A : i32
    %convert_element_type3A = arith.extui %eq3A_8 : i1 to i32
    %cond3A = arith.constant 0 : i32
    %cond3A_9 = arith.cmpi ne, %convert_element_type3A, %cond3A : i32
    scf.if %cond3A_9 {
      "tpu.region"() ({
        %run_scoped3A = tpu.sem_alloc : memref<!tpu.dma_semaphore, #tpu.memory_space<semaphore_mem>>
        %dma_start3A = arith.constant 999424 : i32
        %dma_start3A_10 = arith.constant 0 : i32
        %dma_start3A_11 = tpu.memref_slice %arg2[%dma_start3A, %dma_start3A_10] : memref<1000000x128xf32, #tpu.memory_space<hbm>> -> memref<488x128xf32, #tpu.memory_space<hbm>>
        %dma_start3A_12 = arith.constant 999424 : i32
        %dma_start3A_13 = arith.constant 0 : i32
        %dma_start3A_14 = tpu.memref_slice %arg2[%dma_start3A_12, %dma_start3A_13] : memref<1000000x128xf32, #tpu.memory_space<hbm>> -> memref<488x128xf32, #tpu.memory_space<hbm>>
        tpu.enqueue_dma source(%dma_start3A_14 : memref<488x128xf32, #tpu.memory_space<hbm>>) target(%arg4 : memref<488x128xf32, #tpu.memory_space<vmem>>) target_semaphore(%run_scoped3A : memref<!tpu.dma_semaphore, #tpu.memory_space<semaphore_mem>>)
        %dma_wait3A = arith.constant 999424 : i32
        %dma_wait3A_15 = arith.constant 0 : i32
        %dma_wait3A_16 = tpu.memref_slice %arg2[%dma_wait3A, %dma_wait3A_15] : memref<1000000x128xf32, #tpu.memory_space<hbm>> -> memref<488x128xf32, #tpu.memory_space<hbm>>
        %dma_wait3A_17 = arith.constant 999424 : i32
        %dma_wait3A_18 = arith.constant 0 : i32
        %dma_wait3A_19 = tpu.memref_slice %arg2[%dma_wait3A_17, %dma_wait3A_18] : memref<1000000x128xf32, #tpu.memory_space<hbm>> -> memref<488x128xf32, #tpu.memory_space<hbm>>
        tpu.wait_dma2 semaphore(%run_scoped3A : memref<!tpu.dma_semaphore, #tpu.memory_space<semaphore_mem>>) src(%dma_wait3A_19 : memref<488x128xf32, #tpu.memory_space<hbm>>) dst(%arg4 : memref<488x128xf32, #tpu.memory_space<vmem>>)
        tpu.yield
      }) : () -> ()
      "tpu.region"() ({
        %run_scoped3A = tpu.sem_alloc : memref<!tpu.dma_semaphore, #tpu.memory_space<semaphore_mem>>
        %dma_start3A = arith.constant 999424 : i32
        %dma_start3A_10 = arith.constant 0 : i32
        %dma_start3A_11 = tpu.memref_slice %arg3[%dma_start3A, %dma_start3A_10] : memref<1000000x128xf32, #tpu.memory_space<hbm>> -> memref<488x128xf32, #tpu.memory_space<hbm>>
        %dma_start3A_12 = arith.constant 999424 : i32
        %dma_start3A_13 = arith.constant 0 : i32
        %dma_start3A_14 = tpu.memref_slice %arg3[%dma_start3A_12, %dma_start3A_13] : memref<1000000x128xf32, #tpu.memory_space<hbm>> -> memref<488x128xf32, #tpu.memory_space<hbm>>
        tpu.enqueue_dma source(%arg4 : memref<488x128xf32, #tpu.memory_space<vmem>>) target(%dma_start3A_14 : memref<488x128xf32, #tpu.memory_space<hbm>>) target_semaphore(%run_scoped3A : memref<!tpu.dma_semaphore, #tpu.memory_space<semaphore_mem>>)
        %dma_wait3A = arith.constant 999424 : i32
        %dma_wait3A_15 = arith.constant 0 : i32
        %dma_wait3A_16 = tpu.memref_slice %arg3[%dma_wait3A, %dma_wait3A_15] : memref<1000000x128xf32, #tpu.memory_space<hbm>> -> memref<488x128xf32, #tpu.memory_space<hbm>>
        %dma_wait3A_17 = arith.constant 999424 : i32
        %dma_wait3A_18 = arith.constant 0 : i32
        %dma_wait3A_19 = tpu.memref_slice %arg3[%dma_wait3A_17, %dma_wait3A_18] : memref<1000000x128xf32, #tpu.memory_space<hbm>> -> memref<488x128xf32, #tpu.memory_space<hbm>>
        tpu.wait_dma2 semaphore(%run_scoped3A : memref<!tpu.dma_semaphore, #tpu.memory_space<semaphore_mem>>) src(%arg4 : memref<488x128xf32, #tpu.memory_space<vmem>>) dst(%dma_wait3A_19 : memref<488x128xf32, #tpu.memory_space<hbm>>)
        tpu.yield
      }) : () -> ()
      "tpu.region"() ({
        %run_scoped3A = tpu.sem_alloc : memref<!tpu.dma_semaphore, #tpu.memory_space<semaphore_mem>>
        %dma_start3A = arith.constant 0 : i32
        %dma_start3A_10 = arith.constant 0 : i32
        %dma_start3A_11 = tpu.memref_slice %arg5[%dma_start3A, %dma_start3A_10] : memref<488x128xf32, #tpu.memory_space<vmem>> -> memref<88x128xf32, #tpu.memory_space<vmem>>
        %dma_start3A_12 = arith.constant 999912 : i32
        %dma_start3A_13 = arith.constant 0 : i32
        %dma_start3A_14 = tpu.memref_slice %arg2[%dma_start3A_12, %dma_start3A_13] : memref<1000000x128xf32, #tpu.memory_space<hbm>> -> memref<88x128xf32, #tpu.memory_space<hbm>>
        %dma_start3A_15 = arith.constant 0 : i32
        %dma_start3A_16 = arith.constant 0 : i32
        %dma_start3A_17 = tpu.memref_slice %arg5[%dma_start3A_15, %dma_start3A_16] : memref<488x128xf32, #tpu.memory_space<vmem>> -> memref<88x128xf32, #tpu.memory_space<vmem>>
        %dma_start3A_18 = arith.constant 999912 : i32
        %dma_start3A_19 = arith.constant 0 : i32
        %dma_start3A_20 = tpu.memref_slice %arg2[%dma_start3A_18, %dma_start3A_19] : memref<1000000x128xf32, #tpu.memory_space<hbm>> -> memref<88x128xf32, #tpu.memory_space<hbm>>
        tpu.enqueue_dma source(%dma_start3A_20 : memref<88x128xf32, #tpu.memory_space<hbm>>) target(%dma_start3A_17 : memref<88x128xf32, #tpu.memory_space<vmem>>) target_semaphore(%run_scoped3A : memref<!tpu.dma_semaphore, #tpu.memory_space<semaphore_mem>>)
        %dma_wait3A = arith.constant 0 : i32
        %dma_wait3A_21 = arith.constant 0 : i32
        %dma_wait3A_22 = tpu.memref_slice %arg5[%dma_wait3A, %dma_wait3A_21] : memref<488x128xf32, #tpu.memory_space<vmem>> -> memref<88x128xf32, #tpu.memory_space<vmem>>
        %dma_wait3A_23 = arith.constant 999912 : i32
        %dma_wait3A_24 = arith.constant 0 : i32
        %dma_wait3A_25 = tpu.memref_slice %arg2[%dma_wait3A_23, %dma_wait3A_24] : memref<1000000x128xf32, #tpu.memory_space<hbm>> -> memref<88x128xf32, #tpu.memory_space<hbm>>
        %dma_wait3A_26 = arith.constant 0 : i32
        %dma_wait3A_27 = arith.constant 0 : i32
        %dma_wait3A_28 = tpu.memref_slice %arg5[%dma_wait3A_26, %dma_wait3A_27] : memref<488x128xf32, #tpu.memory_space<vmem>> -> memref<88x128xf32, #tpu.memory_space<vmem>>
        %dma_wait3A_29 = arith.constant 999912 : i32
        %dma_wait3A_30 = arith.constant 0 : i32
        %dma_wait3A_31 = tpu.memref_slice %arg2[%dma_wait3A_29, %dma_wait3A_30] : memref<1000000x128xf32, #tpu.memory_space<hbm>> -> memref<88x128xf32, #tpu.memory_space<hbm>>
        tpu.wait_dma2 semaphore(%run_scoped3A : memref<!tpu.dma_semaphore, #tpu.memory_space<semaphore_mem>>) src(%dma_wait3A_31 : memref<88x128xf32, #tpu.memory_space<hbm>>) dst(%dma_wait3A_28 : memref<88x128xf32, #tpu.memory_space<vmem>>)
        tpu.yield
      }) : () -> ()
      "tpu.region"() ({
        %run_scoped3A = tpu.sem_alloc : memref<!tpu.dma_semaphore, #tpu.memory_space<semaphore_mem>>
        %dma_start3A = arith.constant 0 : i32
        %dma_start3A_10 = arith.constant 0 : i32
        %dma_start3A_11 = tpu.memref_slice %arg5[%dma_start3A, %dma_start3A_10] : memref<488x128xf32, #tpu.memory_space<vmem>> -> memref<88x128xf32, #tpu.memory_space<vmem>>
        %dma_start3A_12 = arith.constant 999912 : i32
        %dma_start3A_13 = arith.constant 0 : i32
        %dma_start3A_14 = tpu.memref_slice %arg3[%dma_start3A_12, %dma_start3A_13] : memref<1000000x128xf32, #tpu.memory_space<hbm>> -> memref<88x128xf32, #tpu.memory_space<hbm>>
        %dma_start3A_15 = arith.constant 999912 : i32
        %dma_start3A_16 = arith.constant 0 : i32
        %dma_start3A_17 = tpu.memref_slice %arg3[%dma_start3A_15, %dma_start3A_16] : memref<1000000x128xf32, #tpu.memory_space<hbm>> -> memref<88x128xf32, #tpu.memory_space<hbm>>
        %dma_start3A_18 = arith.constant 0 : i32
        %dma_start3A_19 = arith.constant 0 : i32
        %dma_start3A_20 = tpu.memref_slice %arg5[%dma_start3A_18, %dma_start3A_19] : memref<488x128xf32, #tpu.memory_space<vmem>> -> memref<88x128xf32, #tpu.memory_space<vmem>>
        tpu.enqueue_dma source(%dma_start3A_20 : memref<88x128xf32, #tpu.memory_space<vmem>>) target(%dma_start3A_17 : memref<88x128xf32, #tpu.memory_space<hbm>>) target_semaphore(%run_scoped3A : memref<!tpu.dma_semaphore, #tpu.memory_space<semaphore_mem>>)
        %dma_wait3A = arith.constant 0 : i32
        %dma_wait3A_21 = arith.constant 0 : i32
        %dma_wait3A_22 = tpu.memref_slice %arg5[%dma_wait3A, %dma_wait3A_21] : memref<488x128xf32, #tpu.memory_space<vmem>> -> memref<88x128xf32, #tpu.memory_space<vmem>>
        %dma_wait3A_23 = arith.constant 999912 : i32
        %dma_wait3A_24 = arith.constant 0 : i32
        %dma_wait3A_25 = tpu.memref_slice %arg3[%dma_wait3A_23, %dma_wait3A_24] : memref<1000000x128xf32, #tpu.memory_space<hbm>> -> memref<88x128xf32, #tpu.memory_space<hbm>>
        %dma_wait3A_26 = arith.constant 999912 : i32
        %dma_wait3A_27 = arith.constant 0 : i32
        %dma_wait3A_28 = tpu.memref_slice %arg3[%dma_wait3A_26, %dma_wait3A_27] : memref<1000000x128xf32, #tpu.memory_space<hbm>> -> memref<88x128xf32, #tpu.memory_space<hbm>>
        %dma_wait3A_29 = arith.constant 0 : i32
        %dma_wait3A_30 = arith.constant 0 : i32
        %dma_wait3A_31 = tpu.memref_slice %arg5[%dma_wait3A_29, %dma_wait3A_30] : memref<488x128xf32, #tpu.memory_space<vmem>> -> memref<88x128xf32, #tpu.memory_space<vmem>>
        tpu.wait_dma2 semaphore(%run_scoped3A : memref<!tpu.dma_semaphore, #tpu.memory_space<semaphore_mem>>) src(%dma_wait3A_31 : memref<88x128xf32, #tpu.memory_space<vmem>>) dst(%dma_wait3A_28 : memref<88x128xf32, #tpu.memory_space<hbm>>)
        tpu.yield
      }) : () -> ()
    } else {
    }
    return
  }
}

#map = affine_map<(d0, d1) -> (0, 0)>
#map1 = affine_map<(d0, d1) -> (0)>
module attributes {stable_mosaic.version = 14 : i64} {
  func.func @sc_gather(%arg0: i32, %arg1: i32, %arg2: memref<1000000x128xf32, #tpu.memory_space<hbm>>, %arg3: memref<4096xi32, #tpu.memory_space<hbm>>, %arg4: memref<4096x128xf32, #tpu.memory_space<hbm>>, %arg5: memref<128xi32, #tpu.memory_space<vmem>>, %arg6: memref<128x128xf32, #tpu.memory_space<vmem>>, %arg7: memref<!tpu.dma_semaphore, #tpu.memory_space<semaphore_mem>>) attributes {dimension_semantics = [#tpu.dimension_semantics<core_parallel>, #tpu.dimension_semantics<subcore_parallel>], iteration_bounds = array<i64: 2, 16>, scalar_prefetch = 0 : i64, scratch_operands = 3 : i64, tpu.core_type = #tpu.core_type<sc_vector_subcore>, window_params = [{transform_indices = #map}, {transform_indices = #map1}, {transform_indices = #map}]} {
    %mul3A = arith.constant 2 : i32
    %mul3A_0 = arith.muli %arg1, %mul3A : i32
    %add3A = arith.addi %mul3A_0, %arg0 : i32
    %mul3A_1 = arith.constant 128 : i32
    %mul3A_2 = arith.muli %add3A, %mul3A_1 : i32
    "tpu.region"() ({
      %run_scoped3A = tpu.sem_alloc : memref<!tpu.dma_semaphore, #tpu.memory_space<semaphore_mem>>
      %dma_start3A_7 = tpu.memref_slice %arg3[%mul3A_2] : memref<4096xi32, #tpu.memory_space<hbm>> -> memref<128xi32, #tpu.memory_space<hbm>>
      %dma_start3A_8 = tpu.memref_slice %arg3[%mul3A_2] : memref<4096xi32, #tpu.memory_space<hbm>> -> memref<128xi32, #tpu.memory_space<hbm>>
      tpu.enqueue_dma source(%dma_start3A_8 : memref<128xi32, #tpu.memory_space<hbm>>) target(%arg5 : memref<128xi32, #tpu.memory_space<vmem>>) target_semaphore(%run_scoped3A : memref<!tpu.dma_semaphore, #tpu.memory_space<semaphore_mem>>)
      %dma_wait3A_9 = tpu.memref_slice %arg3[%mul3A_2] : memref<4096xi32, #tpu.memory_space<hbm>> -> memref<128xi32, #tpu.memory_space<hbm>>
      %dma_wait3A_10 = tpu.memref_slice %arg3[%mul3A_2] : memref<4096xi32, #tpu.memory_space<hbm>> -> memref<128xi32, #tpu.memory_space<hbm>>
      tpu.wait_dma2 semaphore(%run_scoped3A : memref<!tpu.dma_semaphore, #tpu.memory_space<semaphore_mem>>) src(%dma_wait3A_10 : memref<128xi32, #tpu.memory_space<hbm>>) dst(%arg5 : memref<128xi32, #tpu.memory_space<vmem>>)
      tpu.yield
    }) : () -> ()
    %dma_start3A = arith.constant 0 : i32
    %dma_start3A_3 = arith.constant 0 : i32
    %dma_start3A_4 = tpu.memref_slice %arg2[%dma_start3A, %dma_start3A_3] : memref<1000000x128xf32, #tpu.memory_space<hbm>> -> memref<1000000x128xf32, #tpu.memory_space<hbm>>
    tpu.enqueue_indirect_dma source(%dma_start3A_4 : memref<1000000x128xf32, #tpu.memory_space<hbm>>) target(%arg6 : memref<128x128xf32, #tpu.memory_space<vmem>>) offsets(%arg5 : memref<128xi32, #tpu.memory_space<vmem>>) semaphore(%arg7 : memref<!tpu.dma_semaphore, #tpu.memory_space<semaphore_mem>>)
    %dma_wait3A = arith.constant 0 : i32
    %dma_wait3A_5 = arith.constant 0 : i32
    %dma_wait3A_6 = tpu.memref_slice %arg2[%dma_wait3A, %dma_wait3A_5] : memref<1000000x128xf32, #tpu.memory_space<hbm>> -> memref<1000000x128xf32, #tpu.memory_space<hbm>>
    tpu.wait_indirect_dma semaphore(%arg7 : memref<!tpu.dma_semaphore, #tpu.memory_space<semaphore_mem>>) src(%dma_wait3A_6 : memref<1000000x128xf32, #tpu.memory_space<hbm>>) dst(%arg6 : memref<128x128xf32, #tpu.memory_space<vmem>>)
    "tpu.region"() ({
      %run_scoped3A = tpu.sem_alloc : memref<!tpu.dma_semaphore, #tpu.memory_space<semaphore_mem>>
      %dma_start3A_7 = arith.constant 0 : i32
      %dma_start3A_8 = tpu.memref_slice %arg4[%mul3A_2, %dma_start3A_7] : memref<4096x128xf32, #tpu.memory_space<hbm>> -> memref<128x128xf32, #tpu.memory_space<hbm>>
      %dma_start3A_9 = arith.constant 0 : i32
      %dma_start3A_10 = tpu.memref_slice %arg4[%mul3A_2, %dma_start3A_9] : memref<4096x128xf32, #tpu.memory_space<hbm>> -> memref<128x128xf32, #tpu.memory_space<hbm>>
      tpu.enqueue_dma source(%arg6 : memref<128x128xf32, #tpu.memory_space<vmem>>) target(%dma_start3A_10 : memref<128x128xf32, #tpu.memory_space<hbm>>) target_semaphore(%run_scoped3A : memref<!tpu.dma_semaphore, #tpu.memory_space<semaphore_mem>>)
      %dma_wait3A_11 = arith.constant 0 : i32
      %dma_wait3A_12 = tpu.memref_slice %arg4[%mul3A_2, %dma_wait3A_11] : memref<4096x128xf32, #tpu.memory_space<hbm>> -> memref<128x128xf32, #tpu.memory_space<hbm>>
      %dma_wait3A_13 = arith.constant 0 : i32
      %dma_wait3A_14 = tpu.memref_slice %arg4[%mul3A_2, %dma_wait3A_13] : memref<4096x128xf32, #tpu.memory_space<hbm>> -> memref<128x128xf32, #tpu.memory_space<hbm>>
      tpu.wait_dma2 semaphore(%run_scoped3A : memref<!tpu.dma_semaphore, #tpu.memory_space<semaphore_mem>>) src(%arg6 : memref<128x128xf32, #tpu.memory_space<vmem>>) dst(%dma_wait3A_14 : memref<128x128xf32, #tpu.memory_space<hbm>>)
      tpu.yield
    }) : () -> ()
    return
  }
}

#map = affine_map<(d0, d1) -> (0, 0)>
#map1 = affine_map<(d0, d1) -> (0)>
module attributes {stable_mosaic.version = 14 : i64} {
  func.func @new_body(%arg0: i32, %arg1: i32, %arg2: memref<4096x128xf32, #tpu.memory_space<hbm>>, %arg3: memref<4096xi32, #tpu.memory_space<hbm>>, %arg4: memref<1000000x128xf32, #tpu.memory_space<hbm>>, %arg5: memref<1000000x128xf32, #tpu.memory_space<hbm>>, %arg6: memref<128xi32, #tpu.memory_space<vmem>>, %arg7: memref<128x128xf32, #tpu.memory_space<vmem>>, %arg8: memref<!tpu.dma_semaphore, #tpu.memory_space<semaphore_mem>>) attributes {dimension_semantics = [#tpu.dimension_semantics<core_parallel>, #tpu.dimension_semantics<subcore_parallel>], iteration_bounds = array<i64: 2, 16>, scalar_prefetch = 0 : i64, scratch_operands = 3 : i64, tpu.core_type = #tpu.core_type<sc_vector_subcore>, window_params = [{transform_indices = #map}, {transform_indices = #map1}, {transform_indices = #map}, {transform_indices = #map}]} {
    %mul3A = arith.constant 2 : i32
    %mul3A_0 = arith.muli %arg1, %mul3A : i32
    %add3A = arith.addi %mul3A_0, %arg0 : i32
    %mul3A_1 = arith.constant 128 : i32
    %mul3A_2 = arith.muli %add3A, %mul3A_1 : i32
    "tpu.region"() ({
      %run_scoped3A = tpu.sem_alloc : memref<!tpu.dma_semaphore, #tpu.memory_space<semaphore_mem>>
      %dma_start3A_7 = tpu.memref_slice %arg3[%mul3A_2] : memref<4096xi32, #tpu.memory_space<hbm>> -> memref<128xi32, #tpu.memory_space<hbm>>
      %dma_start3A_8 = tpu.memref_slice %arg3[%mul3A_2] : memref<4096xi32, #tpu.memory_space<hbm>> -> memref<128xi32, #tpu.memory_space<hbm>>
      tpu.enqueue_dma source(%dma_start3A_8 : memref<128xi32, #tpu.memory_space<hbm>>) target(%arg6 : memref<128xi32, #tpu.memory_space<vmem>>) target_semaphore(%run_scoped3A : memref<!tpu.dma_semaphore, #tpu.memory_space<semaphore_mem>>)
      %dma_wait3A_9 = tpu.memref_slice %arg3[%mul3A_2] : memref<4096xi32, #tpu.memory_space<hbm>> -> memref<128xi32, #tpu.memory_space<hbm>>
      %dma_wait3A_10 = tpu.memref_slice %arg3[%mul3A_2] : memref<4096xi32, #tpu.memory_space<hbm>> -> memref<128xi32, #tpu.memory_space<hbm>>
      tpu.wait_dma2 semaphore(%run_scoped3A : memref<!tpu.dma_semaphore, #tpu.memory_space<semaphore_mem>>) src(%dma_wait3A_10 : memref<128xi32, #tpu.memory_space<hbm>>) dst(%arg6 : memref<128xi32, #tpu.memory_space<vmem>>)
      tpu.yield
    }) : () -> ()
    "tpu.region"() ({
      %run_scoped3A = tpu.sem_alloc : memref<!tpu.dma_semaphore, #tpu.memory_space<semaphore_mem>>
      %dma_start3A_7 = arith.constant 0 : i32
      %dma_start3A_8 = tpu.memref_slice %arg2[%mul3A_2, %dma_start3A_7] : memref<4096x128xf32, #tpu.memory_space<hbm>> -> memref<128x128xf32, #tpu.memory_space<hbm>>
      %dma_start3A_9 = arith.constant 0 : i32
      %dma_start3A_10 = tpu.memref_slice %arg2[%mul3A_2, %dma_start3A_9] : memref<4096x128xf32, #tpu.memory_space<hbm>> -> memref<128x128xf32, #tpu.memory_space<hbm>>
      tpu.enqueue_dma source(%dma_start3A_10 : memref<128x128xf32, #tpu.memory_space<hbm>>) target(%arg7 : memref<128x128xf32, #tpu.memory_space<vmem>>) target_semaphore(%run_scoped3A : memref<!tpu.dma_semaphore, #tpu.memory_space<semaphore_mem>>)
      %dma_wait3A_11 = arith.constant 0 : i32
      %dma_wait3A_12 = tpu.memref_slice %arg2[%mul3A_2, %dma_wait3A_11] : memref<4096x128xf32, #tpu.memory_space<hbm>> -> memref<128x128xf32, #tpu.memory_space<hbm>>
      %dma_wait3A_13 = arith.constant 0 : i32
      %dma_wait3A_14 = tpu.memref_slice %arg2[%mul3A_2, %dma_wait3A_13] : memref<4096x128xf32, #tpu.memory_space<hbm>> -> memref<128x128xf32, #tpu.memory_space<hbm>>
      tpu.wait_dma2 semaphore(%run_scoped3A : memref<!tpu.dma_semaphore, #tpu.memory_space<semaphore_mem>>) src(%dma_wait3A_14 : memref<128x128xf32, #tpu.memory_space<hbm>>) dst(%arg7 : memref<128x128xf32, #tpu.memory_space<vmem>>)
      tpu.yield
    }) : () -> ()
    %dma_start3A = arith.constant 0 : i32
    %dma_start3A_3 = arith.constant 0 : i32
    %dma_start3A_4 = tpu.memref_slice %arg4[%dma_start3A, %dma_start3A_3] : memref<1000000x128xf32, #tpu.memory_space<hbm>> -> memref<1000000x128xf32, #tpu.memory_space<hbm>>
    tpu.enqueue_indirect_dma source(%arg7 : memref<128x128xf32, #tpu.memory_space<vmem>>) target(%dma_start3A_4 : memref<1000000x128xf32, #tpu.memory_space<hbm>>) offsets(%arg6 : memref<128xi32, #tpu.memory_space<vmem>>) semaphore(%arg8 : memref<!tpu.dma_semaphore, #tpu.memory_space<semaphore_mem>>)
    %dma_wait3A = arith.constant 0 : i32
    %dma_wait3A_5 = arith.constant 0 : i32
    %dma_wait3A_6 = tpu.memref_slice %arg4[%dma_wait3A, %dma_wait3A_5] : memref<1000000x128xf32, #tpu.memory_space<hbm>> -> memref<1000000x128xf32, #tpu.memory_space<hbm>>
    tpu.wait_indirect_dma semaphore(%arg8 : memref<!tpu.dma_semaphore, #tpu.memory_space<semaphore_mem>>) src(%arg7 : memref<128x128xf32, #tpu.memory_space<vmem>>) dst(%dma_wait3A_6 : memref<1000000x128xf32, #tpu.memory_space<hbm>>)
    return
  }
}

module attributes {stable_mosaic.version = 14 : i64} {
  func.func @_gate_body(%arg0: memref<4096x400xf32, #tpu.memory_space<vmem>>, %arg1: memref<400x128xf32, #tpu.memory_space<vmem>>, %arg2: memref<4096x128xf32, #tpu.memory_space<vmem>>, %arg3: memref<2x128x128xf32, #tpu.memory_space<vmem>>, %arg4: memref<128xf32, #tpu.memory_space<vmem>>, %arg5: memref<4096x1xf32, #tpu.memory_space<vmem>>, %arg6: memref<4096x128xf32, #tpu.memory_space<vmem>>) attributes {dimension_semantics = [], scalar_prefetch = 0 : i64, scratch_operands = 0 : i64, tpu.core_type = #tpu.core_type<tc>} {
    %get3A = arith.constant 0 : index
    %get3A_0 = arith.constant 0 : index
    %get3A_1 = vector.load %arg0[%get3A, %get3A_0] : memref<4096x400xf32, #tpu.memory_space<vmem>>, vector<4096x400xf32>
    %abs3A = math.absf %get3A_1 : vector<4096x400xf32>
    %reduce_sum3A = arith.constant dense<0.000000e+00> : vector<4096xf32>
    %reduce_sum3A_2 = vector.multi_reduction <add>, %abs3A, %reduce_sum3A [1] : vector<4096x400xf32> to vector<4096xf32>
    %broadcast_in_dim3A = vector.shape_cast %reduce_sum3A_2 : vector<4096xf32> to vector<4096x1xf32>
    %max3A = arith.constant 9.99999996E-13 : f32
    %max3A_3 = vector.broadcast %max3A : f32 to vector<4096x1xf32>
    %max3A_4 = arith.maximumf %broadcast_in_dim3A, %max3A_3 : vector<4096x1xf32>
    %div3A = vector.broadcast %max3A_4 : vector<4096x1xf32> to vector<4096x400xf32>
    %div3A_5 = arith.divf %get3A_1, %div3A : vector<4096x400xf32>
    %get3A_6 = arith.constant 0 : index
    %get3A_7 = arith.constant 0 : index
    %get3A_8 = vector.load %arg1[%get3A_6, %get3A_7] : memref<400x128xf32, #tpu.memory_space<vmem>>, vector<400x128xf32>
    %dot_general3A = arith.constant dense<0.000000e+00> : vector<4096x128xf32>
    %dot_general3A_9 = tpu.matmul %div3A_5, %get3A_8, %dot_general3A {dimension_numbers = #tpu.dot_dimension_numbers<[1], [0], [0], [1], [0, 0, 1, 1], [], []>, transpose_lhs_hint = false} : vector<4096x400xf32>, vector<400x128xf32>, vector<4096x128xf32> -> vector<4096x128xf32>
    %get3A_10 = arith.constant 0 : index
    %get3A_11 = arith.constant 0 : index
    %get3A_12 = vector.load %arg2[%get3A_10, %get3A_11] : memref<4096x128xf32, #tpu.memory_space<vmem>>, vector<4096x128xf32>
    %get3A_13 = arith.constant 0 : index
    %get3A_14 = arith.constant 0 : index
    %get3A_15 = vector.load %arg5[%get3A_13, %get3A_14] : memref<4096x1xf32, #tpu.memory_space<vmem>>, vector<4096x1xf32>
    %mul3A = vector.broadcast %get3A_15 : vector<4096x1xf32> to vector<4096x128xf32>
    %mul3A_16 = arith.mulf %get3A_12, %mul3A : vector<4096x128xf32>
    %get3A_17 = arith.constant 0 : index
    %get3A_18 = arith.constant 0 : index
    %get3A_19 = arith.constant 0 : index
    %get3A_20 = vector.load %arg3[%get3A_17, %get3A_18, %get3A_19] : memref<2x128x128xf32, #tpu.memory_space<vmem>>, vector<1x128x128xf32>
    %get3A_21 = vector.shape_cast %get3A_20 : vector<1x128x128xf32> to vector<128x128xf32>
    %dot_general3A_22 = arith.constant dense<0.000000e+00> : vector<4096x128xf32>
    %dot_general3A_23 = tpu.matmul %dot_general3A_9, %get3A_21, %dot_general3A_22 {dimension_numbers = #tpu.dot_dimension_numbers<[1], [0], [0], [1], [0, 0, 1, 1], [], []>, transpose_lhs_hint = false} : vector<4096x128xf32>, vector<128x128xf32>, vector<4096x128xf32> -> vector<4096x128xf32>
    %get3A_24 = arith.constant 1 : index
    %get3A_25 = arith.constant 0 : index
    %get3A_26 = arith.constant 0 : index
    %get3A_27 = vector.load %arg3[%get3A_24, %get3A_25, %get3A_26] : memref<2x128x128xf32, #tpu.memory_space<vmem>>, vector<1x128x128xf32>
    %get3A_28 = vector.shape_cast %get3A_27 : vector<1x128x128xf32> to vector<128x128xf32>
    %dot_general3A_29 = arith.constant dense<0.000000e+00> : vector<4096x128xf32>
    %dot_general3A_30 = tpu.matmul %mul3A_16, %get3A_28, %dot_general3A_29 {dimension_numbers = #tpu.dot_dimension_numbers<[1], [0], [0], [1], [0, 0, 1, 1], [], []>, transpose_lhs_hint = false} : vector<4096x128xf32>, vector<128x128xf32>, vector<4096x128xf32> -> vector<4096x128xf32>
    %add3A = arith.addf %dot_general3A_23, %dot_general3A_30 : vector<4096x128xf32>
    %get3A_31 = arith.constant 0 : index
    %get3A_32 = vector.load %arg4[%get3A_31] : memref<128xf32, #tpu.memory_space<vmem>>, vector<128xf32>
    %broadcast_in_dim3A_33 = vector.shape_cast %get3A_32 : vector<128xf32> to vector<1x128xf32>
    %add3A_34 = vector.broadcast %broadcast_in_dim3A_33 : vector<1x128xf32> to vector<4096x128xf32>
    %add3A_35 = arith.addf %add3A, %add3A_34 : vector<4096x128xf32>
    %logistic3A = arith.negf %add3A_35 : vector<4096x128xf32>
    %logistic3A_36 = math.exp %logistic3A : vector<4096x128xf32>
    %logistic3A_37 = arith.constant 1.000000e+00 : f32
    %logistic3A_38 = vector.broadcast %logistic3A_37 : f32 to vector<4096x128xf32>
    %logistic3A_39 = arith.addf %logistic3A_38, %logistic3A_36 : vector<4096x128xf32>
    %logistic3A_40 = arith.divf %logistic3A_38, %logistic3A_39 : vector<4096x128xf32>
    %mul3A_41 = arith.mulf %logistic3A_40, %dot_general3A_9 : vector<4096x128xf32>
    %sub3A = arith.constant 1.000000e+00 : f32
    %sub3A_42 = vector.broadcast %sub3A : f32 to vector<4096x128xf32>
    %sub3A_43 = arith.subf %sub3A_42, %logistic3A_40 : vector<4096x128xf32>
    %mul3A_44 = arith.mulf %sub3A_43, %mul3A_16 : vector<4096x128xf32>
    %add3A_45 = arith.addf %mul3A_41, %mul3A_44 : vector<4096x128xf32>
    %swap3A = arith.constant 0 : index
    %swap3A_46 = arith.constant 0 : index
    %swap3A_47 = vector.load %arg6[%swap3A, %swap3A_46] : memref<4096x128xf32, #tpu.memory_space<vmem>>, vector<4096x128xf32>
    tpu.vector_store %arg6[%swap3A, %swap3A_46], %add3A_45 {strides = array<i32>} : memref<4096x128xf32, #tpu.memory_space<vmem>>, vector<4096x128xf32>,
    return
  }
}

module attributes {stable_mosaic.version = 14 : i64} {
  func.func @_layers_body(%arg0: i32, %arg1: memref<512x4096xf32, #tpu.memory_space<vmem>>, %arg2: memref<4096x128xf32, #tpu.memory_space<vmem>>, %arg3: memref<2x128x256xf32, #tpu.memory_space<vmem>>, %arg4: memref<2x256x128xf32, #tpu.memory_space<vmem>>, %arg5: memref<512x128xf32, #tpu.memory_space<vmem>>, %arg6: memref<4096x4096xbf16, #tpu.memory_space<vmem>>, %arg7: memref<4096x128xf32, #tpu.memory_space<vmem>>, %arg8: memref<4096x1xf32, #tpu.memory_space<vmem>>) attributes {dimension_semantics = [#tpu.dimension_semantics<arbitrary>], iteration_bounds = array<i64: 16>, scalar_prefetch = 0 : i64, scratch_operands = 3 : i64, tpu.core_type = #tpu.core_type<tc>, window_params = [{transform_indices = @transform_0, window_bounds = array<i64: 512, 4096>}, {pipeline_mode = #tpu.pipeline_mode<synchronous>, transform_indices = @transform_1, window_bounds = array<i64: 4096, 128>}, {pipeline_mode = #tpu.pipeline_mode<synchronous>, transform_indices = @transform_2, window_bounds = array<i64: 2, 128, 256>}, {pipeline_mode = #tpu.pipeline_mode<synchronous>, transform_indices = @transform_3, window_bounds = array<i64: 2, 256, 128>}, {transform_indices = @transform_4, window_bounds = array<i64: 512, 128>}]} {
    %lt3A = arith.constant 8 : i32
    %lt3A_0 = arith.cmpi slt, %arg0, %lt3A : i32
    %convert_element_type3A = arith.extui %lt3A_0 : i1 to i32
    %cond3A = arith.constant 0 : i32
    %cond3A_1 = arith.cmpi ne, %convert_element_type3A, %cond3A : i32
    scf.if %cond3A_1 {
      %get3A = arith.constant 0 : index
      %get3A_6 = arith.constant 0 : index
      %get3A_7 = vector.load %arg1[%get3A, %get3A_6] : memref<512x4096xf32, #tpu.memory_space<vmem>>, vector<512x4096xf32>
      %convert_element_type3A_8 = arith.truncf %get3A_7 : vector<512x4096xf32> to vector<512x4096xbf16>
      %mul3A = arith.constant 512 : i32
      %mul3A_9 = arith.muli %arg0, %mul3A : i32
      %swap3A = arith.index_cast %mul3A_9 : i32 to index
      %swap3A_10 = arith.constant 0 : index
      %swap3A_11 = vector.load %arg6[%swap3A, %swap3A_10] : memref<4096x4096xbf16, #tpu.memory_space<vmem>>, vector<512x4096xbf16>
      tpu.vector_store %arg6[%swap3A, %swap3A_10], %convert_element_type3A_8 {strides = array<i32>} : memref<4096x4096xbf16, #tpu.memory_space<vmem>>, vector<512x4096xbf16>,
      %reduce_sum3A = arith.constant dense<0.000000e+00> : vector<512xf32>
      %reduce_sum3A_12 = vector.multi_reduction <add>, %get3A_7, %reduce_sum3A [1] : vector<512x4096xf32> to vector<512xf32>
      %broadcast_in_dim3A = vector.shape_cast %reduce_sum3A_12 : vector<512xf32> to vector<512x1xf32>
      %add3A = arith.constant 9.99999997E-7 : f32
      %add3A_13 = vector.broadcast %add3A : f32 to vector<512x1xf32>
      %add3A_14 = arith.addf %broadcast_in_dim3A, %add3A_13 : vector<512x1xf32>
      %div3A = arith.constant 1.000000e+00 : f32
      %div3A_15 = vector.broadcast %div3A : f32 to vector<512x1xf32>
      %div3A_16 = arith.divf %div3A_15, %add3A_14 : vector<512x1xf32>
      %mul3A_17 = arith.constant 512 : i32
      %mul3A_18 = arith.muli %arg0, %mul3A_17 : i32
      %swap3A_19 = arith.index_cast %mul3A_18 : i32 to index
      %swap3A_20 = arith.constant 0 : index
      %swap3A_21 = vector.load %arg8[%swap3A_19, %swap3A_20] : memref<4096x1xf32, #tpu.memory_space<vmem>>, vector<512x1xf32>
      tpu.vector_store %arg8[%swap3A_19, %swap3A_20], %div3A_16 {strides = array<i32>} : memref<4096x1xf32, #tpu.memory_space<vmem>>, vector<512x1xf32>,
      %get3A_22 = arith.constant 0 : index
      %get3A_23 = arith.constant 0 : index
      %get3A_24 = vector.load %arg2[%get3A_22, %get3A_23] : memref<4096x128xf32, #tpu.memory_space<vmem>>, vector<4096x128xf32>
      %dot_general3A = arith.constant dense<0.000000e+00> : vector<512x128xf32>
      %dot_general3A_25 = tpu.matmul %get3A_7, %get3A_24, %dot_general3A {dimension_numbers = #tpu.dot_dimension_numbers<[1], [0], [0], [1], [0, 0, 1, 1], [], []>, transpose_lhs_hint = false} : vector<512x4096xf32>, vector<4096x128xf32>, vector<512x128xf32> -> vector<512x128xf32>
      %mul3A_26 = vector.broadcast %div3A_16 : vector<512x1xf32> to vector<512x128xf32>
      %mul3A_27 = arith.mulf %dot_general3A_25, %mul3A_26 : vector<512x128xf32>
      %get3A_28 = arith.constant 0 : index
      %get3A_29 = arith.constant 0 : index
      %get3A_30 = arith.constant 0 : index
      %get3A_31 = vector.load %arg3[%get3A_28, %get3A_29, %get3A_30] : memref<2x128x256xf32, #tpu.memory_space<vmem>>, vector<1x128x256xf32>
      %get3A_32 = vector.shape_cast %get3A_31 : vector<1x128x256xf32> to vector<128x256xf32>
      %dot_general3A_33 = arith.constant dense<0.000000e+00> : vector<512x256xf32>
      %dot_general3A_34 = tpu.matmul %mul3A_27, %get3A_32, %dot_general3A_33 {dimension_numbers = #tpu.dot_dimension_numbers<[1], [0], [0], [1], [0, 0, 1, 1], [], []>, transpose_lhs_hint = false} : vector<512x128xf32>, vector<128x256xf32>, vector<512x256xf32> -> vector<512x256xf32>
      %max3A = arith.constant 0.000000e+00 : f32
      %max3A_35 = vector.broadcast %max3A : f32 to vector<512x256xf32>
      %max3A_36 = arith.maximumf %dot_general3A_34, %max3A_35 : vector<512x256xf32>
      %mul3A_37 = arith.constant 512 : i32
      %mul3A_38 = arith.muli %arg0, %mul3A_37 : i32
      %get3A_39 = arith.index_cast %mul3A_38 : i32 to index
      %get3A_40 = arith.constant 0 : index
      %get3A_41 = vector.load %arg2[%get3A_39, %get3A_40] : memref<4096x128xf32, #tpu.memory_space<vmem>>, vector<512x128xf32>
      %get3A_42 = arith.constant 0 : index
      %get3A_43 = arith.constant 0 : index
      %get3A_44 = arith.constant 0 : index
      %get3A_45 = vector.load %arg4[%get3A_42, %get3A_43, %get3A_44] : memref<2x256x128xf32, #tpu.memory_space<vmem>>, vector<1x256x128xf32>
      %get3A_46 = vector.shape_cast %get3A_45 : vector<1x256x128xf32> to vector<256x128xf32>
      %dot_general3A_47 = arith.constant dense<0.000000e+00> : vector<512x128xf32>
      %dot_general3A_48 = tpu.matmul %max3A_36, %get3A_46, %dot_general3A_47 {dimension_numbers = #tpu.dot_dimension_numbers<[1], [0], [0], [1], [0, 0, 1, 1], [], []>, transpose_lhs_hint = false} : vector<512x256xf32>, vector<256x128xf32>, vector<512x128xf32> -> vector<512x128xf32>
      %add3A_49 = arith.addf %get3A_41, %dot_general3A_48 : vector<512x128xf32>
      %mul3A_50 = arith.constant 512 : i32
      %mul3A_51 = arith.muli %arg0, %mul3A_50 : i32
      %swap3A_52 = arith.index_cast %mul3A_51 : i32 to index
      %swap3A_53 = arith.constant 0 : index
      %swap3A_54 = vector.load %arg7[%swap3A_52, %swap3A_53] : memref<4096x128xf32, #tpu.memory_space<vmem>>, vector<512x128xf32>
      tpu.vector_store %arg7[%swap3A_52, %swap3A_53], %add3A_49 {strides = array<i32>} : memref<4096x128xf32, #tpu.memory_space<vmem>>, vector<512x128xf32>,
    } else {
    }
    %ge3A = arith.constant 8 : i32
    %ge3A_2 = arith.cmpi sge, %arg0, %ge3A : i32
    %convert_element_type3A_3 = arith.extui %ge3A_2 : i1 to i32
    %cond3A_4 = arith.constant 0 : i32
    %cond3A_5 = arith.cmpi ne, %convert_element_type3A_3, %cond3A_4 : i32
    scf.if %cond3A_5 {
      %sub3A = arith.constant 8 : i32
      %sub3A_6 = arith.subi %arg0, %sub3A : i32
      %mul3A = arith.constant 512 : i32
      %mul3A_7 = arith.muli %sub3A_6, %mul3A : i32
      %get3A = arith.index_cast %mul3A_7 : i32 to index
      %get3A_8 = arith.constant 0 : index
      %get3A_9 = vector.load %arg6[%get3A, %get3A_8] : memref<4096x4096xbf16, #tpu.memory_space<vmem>>, vector<512x4096xbf16>
      %get3A_10 = arith.constant 0 : index
      %get3A_11 = arith.constant 0 : index
      %get3A_12 = vector.load %arg7[%get3A_10, %get3A_11] : memref<4096x128xf32, #tpu.memory_space<vmem>>, vector<4096x128xf32>
      %convert_element_type3A_13 = arith.truncf %get3A_12 : vector<4096x128xf32> to vector<4096x128xbf16>
      %dot_general3A = arith.constant dense<0.000000e+00> : vector<512x128xf32>
      %dot_general3A_14 = tpu.matmul %get3A_9, %convert_element_type3A_13, %dot_general3A {dimension_numbers = #tpu.dot_dimension_numbers<[1], [0], [0], [1], [0, 0, 1, 1], [], []>, transpose_lhs_hint = false} : vector<512x4096xbf16>, vector<4096x128xbf16>, vector<512x128xf32> -> vector<512x128xf32>
      %mul3A_15 = arith.constant 512 : i32
      %mul3A_16 = arith.muli %sub3A_6, %mul3A_15 : i32
      %get3A_17 = arith.index_cast %mul3A_16 : i32 to index
      %get3A_18 = arith.constant 0 : index
      %get3A_19 = vector.load %arg8[%get3A_17, %get3A_18] : memref<4096x1xf32, #tpu.memory_space<vmem>>, vector<512x1xf32>
      %mul3A_20 = vector.broadcast %get3A_19 : vector<512x1xf32> to vector<512x128xf32>
      %mul3A_21 = arith.mulf %dot_general3A_14, %mul3A_20 : vector<512x128xf32>
      %get3A_22 = arith.constant 1 : index
      %get3A_23 = arith.constant 0 : index
      %get3A_24 = arith.constant 0 : index
      %get3A_25 = vector.load %arg3[%get3A_22, %get3A_23, %get3A_24] : memref<2x128x256xf32, #tpu.memory_space<vmem>>, vector<1x128x256xf32>
      %get3A_26 = vector.shape_cast %get3A_25 : vector<1x128x256xf32> to vector<128x256xf32>
      %dot_general3A_27 = arith.constant dense<0.000000e+00> : vector<512x256xf32>
      %dot_general3A_28 = tpu.matmul %mul3A_21, %get3A_26, %dot_general3A_27 {dimension_numbers = #tpu.dot_dimension_numbers<[1], [0], [0], [1], [0, 0, 1, 1], [], []>, transpose_lhs_hint = false} : vector<512x128xf32>, vector<128x256xf32>, vector<512x256xf32> -> vector<512x256xf32>
      %max3A = arith.constant 0.000000e+00 : f32
      %max3A_29 = vector.broadcast %max3A : f32 to vector<512x256xf32>
      %max3A_30 = arith.maximumf %dot_general3A_28, %max3A_29 : vector<512x256xf32>
      %mul3A_31 = arith.constant 512 : i32
      %mul3A_32 = arith.muli %sub3A_6, %mul3A_31 : i32
      %get3A_33 = arith.index_cast %mul3A_32 : i32 to index
      %get3A_34 = arith.constant 0 : index
      %get3A_35 = vector.load %arg7[%get3A_33, %get3A_34] : memref<4096x128xf32, #tpu.memory_space<vmem>>, vector<512x128xf32>
      %get3A_36 = arith.constant 1 : index
      %get3A_37 = arith.constant 0 : index
      %get3A_38 = arith.constant 0 : index
      %get3A_39 = vector.load %arg4[%get3A_36, %get3A_37, %get3A_38] : memref<2x256x128xf32, #tpu.memory_space<vmem>>, vector<1x256x128xf32>
      %get3A_40 = vector.shape_cast %get3A_39 : vector<1x256x128xf32> to vector<256x128xf32>
      %dot_general3A_41 = arith.constant dense<0.000000e+00> : vector<512x128xf32>
      %dot_general3A_42 = tpu.matmul %max3A_30, %get3A_40, %dot_general3A_41 {dimension_numbers = #tpu.dot_dimension_numbers<[1], [0], [0], [1], [0, 0, 1, 1], [], []>, transpose_lhs_hint = false} : vector<512x256xf32>, vector<256x128xf32>, vector<512x128xf32> -> vector<512x128xf32>
      %add3A = arith.addf %get3A_35, %dot_general3A_42 : vector<512x128xf32>
      %swap3A = arith.constant 0 : index
      %swap3A_43 = arith.constant 0 : index
      %swap3A_44 = vector.load %arg5[%swap3A, %swap3A_43] : memref<512x128xf32, #tpu.memory_space<vmem>>, vector<512x128xf32>
      tpu.vector_store %arg5[%swap3A, %swap3A_43], %add3A {strides = array<i32>} : memref<512x128xf32, #tpu.memory_space<vmem>>, vector<512x128xf32>,
    } else {
    }
    return
  }
  func.func @transform_0(%arg0: i32) -> (i32, i32) {
    %min3A = arith.constant 7 : i32
    %min3A_0 = arith.minsi %arg0, %min3A : i32
    %c0_i32 = arith.constant 0 : i32
    %c0_i32_1 = arith.constant 0 : i32
    return %min3A_0, %c0_i32 : i32, i32
  }
  func.func @transform_1(%arg0: i32) -> (i32, i32) {
    %c0_i32 = arith.constant 0 : i32
    %c0_i32_0 = arith.constant 0 : i32
    %c0_i32_1 = arith.constant 0 : i32
    return %c0_i32, %c0_i32_0 : i32, i32
  }
  func.func @transform_2(%arg0: i32) -> (i32, i32, i32) {
    %c0_i32 = arith.constant 0 : i32
    %c0_i32_0 = arith.constant 0 : i32
    %c0_i32_1 = arith.constant 0 : i32
    %c0_i32_2 = arith.constant 0 : i32
    return %c0_i32, %c0_i32_0, %c0_i32_1 : i32, i32, i32
  }
  func.func @transform_3(%arg0: i32) -> (i32, i32, i32) {
    %c0_i32 = arith.constant 0 : i32
    %c0_i32_0 = arith.constant 0 : i32
    %c0_i32_1 = arith.constant 0 : i32
    %c0_i32_2 = arith.constant 0 : i32
    return %c0_i32, %c0_i32_0, %c0_i32_1 : i32, i32, i32
  }
  func.func @transform_4(%arg0: i32) -> (i32, i32) {
    %sub3A = arith.constant 8 : i32
    %sub3A_0 = arith.subi %arg0, %sub3A : i32
    %max3A = arith.constant 0 : i32
    %max3A_1 = arith.maxsi %sub3A_0, %max3A : i32
    %c0_i32 = arith.constant 0 : i32
    %c0_i32_2 = arith.constant 0 : i32
    return %max3A_1, %c0_i32 : i32, i32
  }
}

</mosaic_0001>

<sc_bundles>
// kernel: kernel.10.cloned.1.call-start
scs
__scs_entry_jumppad:
0x0: {  	(pc) =	sbr.rel $0x88, $3  }
0x1: {  	(tag) =	ssettag $0x0;
	lr =	simm.s32 $0x1  }
0x2: {  	[smem:$0x3F97] =	sst lr;
	_ =	strace $0xD0000000  }
0x3: {  	_ = 	snop  }
0x4: {  	_ = 	snop  }
0x5: {  	_ = 	snop  }
0x6: {  	_ = 	snop  }
0x7: {  	_ = 	snop  }
__scs_overlays_trampoline_lowered:
0x8: {  	[smem:$0x3FA6] =	sst s0  }
0x9: {  	[smem:$0x3FA7] =	sst s1  }
0xa: {  	[smem:$0x3FA8] =	sst s2  }
0xb: {  	[smem:$0x3FA9] =	sst s3  }
0xc: {  	[smem:$0x3FAA] =	sst s4  }
0xd: {  	[smem:$0x3FAB] =	sst s5  }
0xe: {  	[smem:$0x3FAC] =	sst s6  }
0xf: {  	[smem:$0x3FAD] =	sst s7  }
0x10: {  	[smem:$0x3FAE] =	sst s8  }
0x11: {  	[smem:$0x3FAF] =	sst s9;
	s0 =	simm.s32 @!p0 $0x0  }
0x12: {  	s1 =	sld [smem:$0x3F95];
	s0 =	simm.s32 @p0 $0x1  }
0x13: {  	[smem:$0x3FB0] =	sst s0;
	s0 =	simm.s32 @!p1 $0x0  }
0x14: {  	s2 =	sld [smem:$0x3F94];
	s0 =	simm.s32 @p1 $0x1  }
0x15: {  	[smem:$0x3FB1] =	sst s0;
	s0 =	simm.s32 @!p2 $0x0  }
0x16: {  	s3 =	sld [smem:$0x3FDB];
	s0 =	simm.s32 @p2 $0x1  }
0x17: {  	s4 =	simm.s32 $0x1BF5;
	[smem:$0x3FB3] =	sst s0  }
0x18: {  	s0 =	sld [smem:$0x3F96];
	_ =	swait.ge [sflag:s4], $0x0  }
0x19: {  	s7 =	sld [smem:$0x3F97]  }
0x1a: {  	s8 =	sadd.s32 $0xFFFFE003, lr  }
0x1b: {  	s9 =	sadd.s32 $0xFFFFFEF7, lr;
	s5 =	simm.s32 $0xFFFFFFFF;
	p2 =	slt.u32 s8, $0xFFFFF086  }
0x1c: {  	p1 =	slt.u32 s9, $0xF7A;
	s5 =	simm.s32 @!p2 $0x0  }
0x1d: {  	s5 =	simm.s32 @p1 $0x1;
	p0 =	seq.s32 s7, s2  }
0x1e: {  	s7 =	smul.u32 @!p0 $0xF7A, s2;
	p2 =	seq.s32 @!p0 s5, $0x0  }
0x1f: {  	s9 =	smul.u32 $0xF7A, s1;
	s8 =	simm.s32 @!p0 $0x1BF5;
	p2 =	por !p2, p0  }
0x20: {  	[sflag:s8] =	ssyncset.s32 @!p0 $0xFFFFF086;
	s6 =	sadd.s32 @!p0 s3, s7;
	s7 =	simm.s32 @!p0 $0x108  }
0x21: {  	s3 =	sadd.s32 s3, s9;
	s6 =	sadd.s32 @!p0 $0x88, s6;
	s7 =	simm.s32 @p2 $0x1082  }
0x22: {  	[simem:s7], [sflag:s8] =	dma.local @!p0 [hbm:s6], $0xF7A  }
0x23: {  	s9 =	sor.u32 $0xD0000000, s2;
	s6 =	simm.s32 $0x108;
	_ =	swait.ge @!p0 [sflag:s8], $0x0  }
0x24: {  	s3 =	sadd.s32 $0x88, s3;
	s6 =	simm.s32 @!p1 $0x1082;
	[sflag:s4] =	ssyncset.s32 $0xFFFFF086  }
0x25: {  	[simem:s6], [sflag:s4] =	dma.local [hbm:s3], $0xF7A  }
0x26: {  	[smem:$0x3F97] =	sst s1;
	(tag) =	ssettag s2;
	_ =	strace s9  }
0x27: {  	s1 =	sld [smem:$0x3FA7]  }
0x28: {  	s2 =	sld [smem:$0x3FA8]  }
0x29: {  	s4 =	sld [smem:$0x3FAA]  }
0x2a: {  	p0 =	seq.s32 s5, $0x0;
	s5 =	sld [smem:$0x3FAB]  }
0x2b: {  	s6 =	sld [smem:$0x3FAC]  }
0x2c: {  	s7 =	sld [smem:$0x3FAD]  }
0x2d: {  	s3 =	simm.s32 $0x108;
	s8 =	sld [smem:$0x3FAE]  }
0x2e: {  	s3 =	simm.s32 @!p0 $0x1082;
	s9 =	sld [smem:$0x3FAF]  }
0x2f: {  	lr =	sadd.s32 s0, s3;
	s0 =	sld [smem:$0x3FA6]  }
0x30: {  	s3 =	sld [smem:$0x3FA9]  }
0x31: {  	[smem:$0x3FB2] =	sst s10  }
0x32: {  	s10 =	sld [smem:$0x3FB0];
	_ =	sdelay $0x3  }
0x33: {  	p0 =	seq.s32 s10, $0x1;
	s10 =	sld [smem:$0x3FB2];
	_ =	sdelay $0x3  }
0x34: {  	[smem:$0x3FB2] =	sst s10  }
0x35: {  	s10 =	sld [smem:$0x3FB1];
	_ =	sdelay $0x3  }
0x36: {  	p1 =	seq.s32 s10, $0x1;
	s10 =	sld [smem:$0x3FB2];
	_ =	sdelay $0x3  }
0x37: {  	[smem:$0x3FB2] =	sst s10  }
0x38: {  	s10 =	sld [smem:$0x3FB3]  }
0x39: {  	_ = 	snop;
	(pc) =	sbr.ind lr, $3  }
0x3a: {  	_ = 	snop  }
0x3b: {  	_ = 	snop  }
0x3c: {  	p2 =	seq.s32 s10, $0x1;
	s10 =	sld [smem:$0x3FB2]  }
0x3d: {  	_ =	shalt  }
0x3e: {  	_ =	shalt  }
0x3f: {  	_ =	shalt  }
0x40: {  	_ =	shalt  }
0x41: {  	_ =	shalt  }
0x42: {  	_ =	shalt  }
0x43: {  	_ =	shalt  }
0x44: {  	_ =	shalt  }
0x45: {  	_ =	shalt  }
0x46: {  	_ =	shalt  }
0x47: {  	_ =	shalt  }
0x48: {  	_ =	shalt  }
0x49: {  	_ =	shalt  }
0x4a: {  	_ =	shalt  }
0x4b: {  	_ =	shalt  }
0x4c: {  	_ =	shalt  }
0x4d: {  	_ =	shalt  }
0x4e: {  	_ =	shalt  }
0x4f: {  	_ =	shalt  }
0x50: {  	_ =	shalt  }
0x51: {  	_ =	shalt  }
0x52: {  	_ =	shalt  }
0x53: {  	_ =	shalt  }
0x54: {  	_ =	shalt  }
0x55: {  	_ =	shalt  }
0x56: {  	_ =	shalt  }
0x57: {  	_ =	shalt  }
0x58: {  	_ =	shalt  }
0x59: {  	_ =	shalt  }
0x5a: {  	_ =	shalt  }
0x5b: {  	_ =	shalt  }
0x5c: {  	_ =	shalt  }
0x5d: {  	_ =	shalt  }
0x5e: {  	_ =	shalt  }
0x5f: {  	_ =	shalt  }
0x60: {  	_ =	shalt  }
0x61: {  	_ =	shalt  }
0x62: {  	_ =	shalt  }
0x63: {  	_ =	shalt  }
0x64: {  	_ =	shalt  }
0x65: {  	_ =	shalt  }
0x66: {  	_ =	shalt  }
0x67: {  	_ =	shalt  }
0x68: {  	_ =	shalt  }
0x69: {  	_ =	shalt  }
0x6a: {  	_ =	shalt  }
0x6b: {  	_ =	shalt  }
0x6c: {  	_ =	shalt  }
0x6d: {  	_ =	shalt  }
0x6e: {  	_ =	shalt  }
0x6f: {  	_ =	shalt  }
0x70: {  	_ =	shalt  }
0x71: {  	_ =	shalt  }
0x72: {  	_ =	shalt  }
0x73: {  	_ =	shalt  }
0x74: {  	_ =	shalt  }
0x75: {  	_ =	shalt  }
0x76: {  	_ =	shalt  }
0x77: {  	_ =	shalt  }
0x78: {  	_ =	shalt  }
0x79: {  	_ =	shalt  }
0x7a: {  	_ =	shalt  }
0x7b: {  	_ =	shalt  }
0x7c: {  	_ =	shalt  }
0x7d: {  	_ =	shalt  }
0x7e: {  	_ =	shalt  }
0x7f: {  	_ =	shalt  }
0x80: {  	_ =	shalt  }
0x81: {  	_ =	shalt  }
0x82: {  	_ =	shalt  }
0x83: {  	_ =	shalt  }
0x84: {  	_ =	shalt  }
0x85: {  	_ =	shalt  }
0x86: {  	_ =	shalt  }
0x87: {  	_ =	shalt  }
.Lfunc_end0:
.L_simem_size_0:
called_computation.1_lowered:
.L_overlay_start_0:
0x88: {  	s2 =	sld [smem:$0x3FD9]  }
0x89: {  	s3 =	sld [smem:$0x3FFE];
	_ =	sdelay $0x1  }
0x8a: {  	s1 =	srdreg.scid  }
0x8b: {  	s0 =	sand.u32 $0x1, s1  }
0x8c: {  	s16 =	sshll.u32 s0, $0xA;
	s2 =	sadd.s32 s3, s2  }
0x8d: {  	s2 =	sadd.s32 s2, s16  }
0x8e: {  	[smem:$0x3FBE] =	sst s2  }
0x8f: {  	_ = 	snop  }
0x90: {  	s17 =	sld [smem:$0x3FD0];
	_ =	sdelay $0x2  }
0x91: {  	s4 =	simm.s32 $0xB;
	s5 =	simm.s32 $0x10;
	s2 =	sld [smem:$0x3FC5]  }
0x92: {  	[smem:s5], [sflag:s4] =	dma.local [hbm:s17], $0x1  }
0x93: {  	_ =	swait.eq [sflag:s4], $0x1  }
0x94: {  	[sflag:s4] =	ssyncset.done $0x0  }
0x95: {  	[sflag:s4] =	ssyncadd.s32 $0xFFFFFFFF  }
0x96: {  	s18 =	sld [smem:$0x11];
	(tm) =	ssettm $0x1  }
0x97: {  	s19 =	sld [smem:$0x3FFB];
	_ =	sdelay $0x3  }
0x98: {  	_ =	strace s19  }
0x99: {  	s3 =	sld [smem:$0x3FFC];
	_ =	sdelay $0x3  }
0x9a: {  	_ =	strace s3  }
0x9b: {  	s3 =	sld [smem:$0x3FFD];
	_ =	sdelay $0x3  }
0x9c: {  	_ =	strace s3  }
0x9d: {  	_ =	strace $0x8FFFFFFF  }
0x9e: {  	s20 =	sld [smem:$0x3FDB];
	_ =	sdelay $0x1  }
0x9f: {  	s21 =	simm.s32 $_scs_section_size  }
0xa0: {  	s6 =	simm.s32 $_size__tile_overlayer_lowered;
	s7 =	simm.s32 $_tile_overlayer_lowered  }
0xa1: {  	s8 =	simm.s32 $0x1BFF;
	s22 =	sshll.u32 s7, $0x1;
	s5 =	sadd.s32 s21, s20  }
0xa2: {  	s23 =	simm.s32 $0x0;
	s6 =	sshll.u32 s6, $0x1;
	s7 =	sadd.s32 s22, s5  }
0xa3: {  	[timem:s23], [sflag:s8] =	dma.local [hbm:s7], s6  }
0xa4: {  	_ =	swait.ge [sflag:s8], s6  }
0xa5: {  	s6 =	ssub.s32 $0x0, s6;
	[sflag:s8] =	ssyncset.done $0x0  }
0xa6: {  	[sflag:s8] =	ssyncadd.s32 s6;
	_ =	sdelay $0x1  }
0xa7: {  	s24 =	simm.s32 $0x1B8B  }
0xa8: {  	_ =	swait.ge [sflag:s24], $0x1  }
0xa9: {  	[sflag:s24] =	ssyncset.done $0x0  }
0xaa: {  	[sflag:s24] =	ssyncadd.s32 $0xFFFFFFFF  }
0xab: {  	s6 =	sld [smem:$0x0]  }
0xac: {  	s7 =	sand.u32 $0xFFFFFFFE, s1  }
0xad: {  	p0 =	sne.s32 s1, s7  }
0xae: {  	s7 =	sshll.u32 @p0 s7, $0xE  }
0xaf: {  	s7 =	sadd.s32 @p0 $0x11B8D, s7;
	s8 =	sshll.u32 @p0 s6, $0x11  }
0xb0: {  	s7 =	sor.u32 @p0 s8, s7  }
0xb1: {  	[sflag:s7] =	ssyncadd.remote.s32 @p0 $0x1;
	_ =	sdelay $0x1  }
0xb2: {  	s7 =	simm.s32 @p0 $0x1B8D  }
0xb3: {  	_ =	swait.eq @p0 [sflag:s7], $0x1  }
0xb4: {  	[sflag:s7] =	ssyncadd.s32 @p0 $0xFFFFFFFF  }
0xb5: {  	s8 =	sshll.u32 @!p0 s1, $0xE  }
0xb6: {  	s8 =	sor.u32 @!p0 $0x4000, s8;
	s7 =	simm.s32 @!p0 $0x1B8D  }
0xb7: {  	s6 =	sshll.u32 @!p0 s6, $0x11;
	s8 =	sadd.s32 @!p0 $0x11B8D, s8;
	_ =	swait.eq @!p0 [sflag:s7], $0x1  }
0xb8: {  	s6 =	sor.u32 @!p0 s6, s8;
	[sflag:s7] =	ssyncadd.s32 @!p0 $0xFFFFFFFF  }
0xb9: {  	s25 =	simm.s32 $0x1B8E;
	[sflag:s6] =	ssyncadd.remote.s32 @!p0 $0x1  }
0xba: {  	s26 =	simm.s32 $execute0_lowered;
	[smem:$0x3FD2] =	sst s25  }
0xbb: {  	s6 =	sshll.u32 s26, $0x1;
	_ =	strace $0x80000049;
	[dreg:$0x1] =	wrdreg $0xFFFFFFFF  }
0xbc: {  	s28 =	simm.s32 $_size_execute0_lowered;
	s5 =	sadd.s32 s5, s6;
	[dreg:$0x0] =	wrdreg $0x0  }
0xbd: {  	s6 =	sshll.u32 s28, $0x1;
	[dreg:$0x2] =	wrdreg s5  }
0xbe: {  	[dreg:$0x3] =	wrdreg s6  }
0xbf: {  	[dreg:$0x4] =	wrdreg $0xC0  }
0xc0: {  	_ =	task [dreg:s23], $0x5FFFF  }
0xc1: {  	[dreg:$0x1] =	wrdreg $0xFFFFFFFF  }
0xc2: {  	[dreg:$0x0] =	wrdreg $0x60  }
0xc3: {  	[dreg:$0x2] =	wrdreg s2  }
0xc4: {  	[dreg:$0x3] =	wrdreg s18  }
0xc5: {  	[dreg:$0x4] =	wrdreg $0xA  }
0xc6: {  	_ =	task.clear_ibuf [dreg:s23], $0x5FFFF;
	_ =	strace $0x90000049  }
0xc7: {  	s29 =	simm.s32 $0xA;
	_ =	strace $0x8000004B  }
0xc8: {  	_ =	swait.ge [sflag:s29], $0x1  }
0xc9: {  	[sflag:s29] =	ssyncadd.s32 $0xFFFFFFFF  }
0xca: {  	_ =	strace $0x9000004B  }
0xcb: {  	_ =	sfence  }
0xcc: {  	s30 =	sld [smem:$0x0];
	_ =	sdelay $0x2  }
0xcd: {  	s31 =	sshll.u32 s1, $0xD;
	s1 =	sshrl.u32 s1, $0x2  }
0xce: {  	s4 =	sand.u32 $0x4000, s31;
	s1 =	sadd.s32 s1, s30  }
0xcf: {  	s0 =	sor.u32 s4, s0;
	s1 =	sshll.u32 s1, $0x11  }
0xd0: {  	s0 =	sor.u32 s1, s0  }
0xd1: {  	s0 =	sadd.s32 $0x8F2B, s0  }
0xd2: {  	[sflag:s0] =	ssyncadd.remote.s32 $0x1  }
0xd3: {  	_ =	sfence.sel $0xFFFF  }
0xd4: {  	[dreg:$0x0] =	wrdreg $0xFFFFFFFF;
	(pc) =	sbr.abs _section_cstart, $3  }
0xd5: {  	[dreg:$0x1] =	wrdreg $0xFFFFFFFF  }
0xd6: {  	_ =	task.clear_ibuf [dreg:s23], $0x2FFFF;
	_ =	strace $0x9FFFFFFF  }
0xd7: {  	(tm) =	ssettm $0x7FFFFFFF  }
tec
execute0_lowered:
.L_overlay_start_1:
0x0: {  	(tag) =	ssettag $0x1  }
0x1: {  	s8 =	rddreg [dreg:$0x0]  }
0x2: {  	s9 =	rddreg [dreg:$0x1]  }
0x3: {  	s1 =	srdreg.scid;
	s0 =	rddreg [dreg:$0x2];
	s2 =	simm.s32 $0x0  }
0x4: {  	s13 =	simm.s32 $0x3;
	s14 =	simm.s32 $0x4;
	s7 =	sand.u32 $0x1, s1  }
0x5: {  	s1 =	stileid.u32;
	[smem:$0x7FF] =	sst s2;
	s6 =	sadd.s32 $0xF41E80, s9  }
0x6: {  	s3 =	ssub.s32 $0x2, s7;
	s5 =	sshll.u32 s1, $0x1;
	s11 =	smul.u32 $0xF4000, s1  }
0x7: {  	_ =	strace $0x8000004A;
	s12 =	smul.u32 $0x7A000, s7;
	s4 =	sshrl.u32 s3, $0x1  }
0x8: {  	s15 =	sor.u32 s7, s5;
	s5 =	sadd.s32 $0xF41E80, s8;
	s10 =	ssub.s32 s3, s4  }
0x9: {  	s3 =	sadd.s32 $0xF40000, s8;
	s4 =	sadd.s32 $0xF40000, s9;
	s8 =	sadd.s32 s11, s8  }
0xa: {  	s9 =	sadd.s32 s11, s9;
	s11 =	simm.s32 $0x1;
	p0 =	sne.s32 s15, $0x1F  }
0xb: {  	s15 =	simm.s32 $0x0;
	s7 =	smax.u32 s10, $0x1;
	s8 =	sadd.s32 s12, s8  }
0xc: {  	s9 =	sadd.s32 s12, s9;
	s10 =	simm.s32 $0xF400;
	s12 =	simm.s32 $0x2  }
.LBB2_1:
0xd: {  	s16 =	sadd.s32 $0x0, s8  }
0xe: {  	[tilespmem:s2], [sflag:$0x1] =	stream.linear.gather [hbm4b:s16+s2], $0xF400, $0x38;
	[tilespmem:$0x1E800] =	vst v63  }
0xf: {  	s16 =	sadd.s32 $0x1E80, s16  }
0x10: {  	[tilespmem:s10], [sflag:$0x2] =	stream.linear.gather [hbm4b:s16+s2], $0xF400, $0x38;
	[tilespmem:$0x1E800] =	vst v63  }
0x11: {  	_ =	swait.ge [sflag:s11], $0xF400  }
0x12: {  	[sflag:s11] =	ssyncset.done $0x0  }
0x13: {  	s31 =	sadd.s32 $0x0, s9;
	[sflag:s11] =	ssyncadd.s32 $0xFFFF0C00  }
0x14: {  	[hbm4b:s31+s2] =	stream.linear.scatter [tilespmem:s2], [sflag:$0x3], $0xF400, $0x38;
	[tilespmem:$0x1E800] =	vst v63  }
0x15: {  	_ =	swait.ge [sflag:s12], $0xF400  }
0x16: {  	[sflag:s12] =	ssyncset.done $0x0  }
0x17: {  	s16 =	sadd.s32 $0x1E80, s31;
	[sflag:s12] =	ssyncadd.s32 $0xFFFF0C00  }
0x18: {  	[hbm4b:s16+s2] =	stream.linear.scatter [tilespmem:s10], [sflag:$0x4], $0xF400, $0x38;
	[tilespmem:$0x1E800] =	vst v63  }
0x19: {  	_ =	swait.ge [sflag:s13], $0xF400  }
0x1a: {  	[sflag:s13] =	ssyncset.done $0x0  }
0x1b: {  	[sflag:s13] =	ssyncadd.s32 $0xFFFF0C00  }
0x1c: {  	_ =	swait.ge [sflag:s14], $0xF400  }
0x1d: {  	s17 =	simm.s32 $0x7A00;
	s16 =	simm.s32 $0x3D00;
	[sflag:s14] =	ssyncset.done $0x0  }
.LBB2_2:
0x1e: {  	s18 =	sadd.s32 s16, s8  }
0x1f: {  	[sflag:s14] =	ssyncadd.s32 $0xFFFF0C00;
	s19 =	smov.u32 s17;
	s20 =	sadd.s32 $0x3D00, s17  }
0x20: {  	[tilespmem:s2], [sflag:$0x1] =	stream.linear.gather [hbm4b:s18+s2], $0xF400, $0x38;
	[tilespmem:$0x1E800] =	vst v63  }
0x21: {  	p1 =	sne.s32 s17, $0x76300;
	s17 =	sadd.s32 $0x1E80, s18  }
0x22: {  	[tilespmem:s10], [sflag:$0x2] =	stream.linear.gather [hbm4b:s17+s2], $0xF400, $0x38;
	[tilespmem:$0x1E800] =	vst v63  }
0x23: {  	_ =	swait.ge [sflag:s11], $0xF400  }
0x24: {  	[sflag:s11] =	ssyncset.done $0x0  }
0x25: {  	s17 =	sadd.s32 s16, s9;
	s16 =	smov.u32 s19;
	[sflag:s11] =	ssyncadd.s32 $0xFFFF0C00  }
0x26: {  	[hbm4b:s17+s2] =	stream.linear.scatter [tilespmem:s2], [sflag:$0x3], $0xF400, $0x38;
	[tilespmem:$0x1E800] =	vst v63  }
0x27: {  	_ =	swait.ge [sflag:s12], $0xF400  }
0x28: {  	[sflag:s12] =	ssyncset.done $0x0  }
0x29: {  	s17 =	sadd.s32 $0x1E80, s17;
	[sflag:s12] =	ssyncadd.s32 $0xFFFF0C00  }
0x2a: {  	[hbm4b:s17+s2] =	stream.linear.scatter [tilespmem:s10], [sflag:$0x4], $0xF400, $0x38;
	[tilespmem:$0x1E800] =	vst v63  }
.Ltmp0:
0x2b: {  	_ =	swait.ge [sflag:s13], $0xF400;
	(pc) =	sbr.rel @p1 .LBB2_2-.Ltmp0, $4  }
0x2c: {  	[sflag:s13] =	ssyncset.done $0x0  }
0x2d: {  	[sflag:s13] =	ssyncadd.s32 $0xFFFF0C00  }
0x2e: {  	_ =	swait.ge [sflag:s14], $0xF400  }
0x2f: {  	s17 =	smov.u32 s20;
	[sflag:s14] =	ssyncset.done $0x0  }
0x30: {  	s17 =	sadd.s32 s16, s8;
	[sflag:s14] =	ssyncadd.s32 $0xFFFF0C00  }
0x31: {  	[tilespmem:s2], [sflag:$0x1] =	stream.linear.gather [hbm4b:s17+s2], $0xF400, $0x38;
	[tilespmem:$0x1E800] =	vst v63  }
0x32: {  	s17 =	sadd.s32 $0x1E80, s17  }
0x33: {  	[tilespmem:s10], [sflag:$0x2] =	stream.linear.gather [hbm4b:s17+s2], $0xF400, $0x38;
	[tilespmem:$0x1E800] =	vst v63  }
0x34: {  	_ =	swait.ge [sflag:s11], $0xF400  }
0x35: {  	[sflag:s11] =	ssyncset.done $0x0  }
0x36: {  	s31 =	sadd.s32 s16, s9;
	[sflag:s11] =	ssyncadd.s32 $0xFFFF0C00  }
0x37: {  	[hbm4b:s31+s2] =	stream.linear.scatter [tilespmem:s2], [sflag:$0x3], $0xF400, $0x38;
	[tilespmem:$0x1E800] =	vst v63  }
0x38: {  	_ =	swait.ge [sflag:s12], $0xF400  }
0x39: {  	[sflag:s12] =	ssyncset.done $0x0  }
0x3a: {  	s16 =	sadd.s32 $0x1E80, s31;
	[sflag:s12] =	ssyncadd.s32 $0xFFFF0C00  }
0x3b: {  	[hbm4b:s16+s2] =	stream.linear.scatter [tilespmem:s10], [sflag:$0x4], $0xF400, $0x38;
	[tilespmem:$0x1E800] =	vst v63  }
0x3c: {  	_ =	swait.ge [sflag:s13], $0xF400  }
0x3d: {  	[sflag:s13] =	ssyncset.done $0x0  }
0x3e: {  	[sflag:s13] =	ssyncadd.s32 $0xFFFF0C00  }
0x3f: {  	_ =	swait.ge [sflag:s14], $0xF400  }
0x40: {  	[sflag:s14] =	ssyncset.done $0x0  }
0x41: {  	s17 =	simm.s32 @!p0 $0x5;
	s16 =	simm.s32 @!p0 $0x0;
	[sflag:s14] =	ssyncadd.s32 $0xFFFF0C00  }
0x42: {  	[tilespmem:s16], [sflag:$0x5] =	stream.linear.gather @!p0 [hbm4b:s3+s16], $0xF400, $0x38;
	[tilespmem:$0x1E800] =	vst v63  }
0x43: {  	_ =	swait.ge @!p0 [sflag:s17], $0xF400  }
0x44: {  	[sflag:s17] =	ssyncset.done @!p0 $0x0  }
0x45: {  	[sflag:s17] =	ssyncadd.s32 @!p0 $0xFFFF0C00  }
0x46: {  	[hbm4b:s4+s16] =	stream.linear.scatter @!p0 [tilespmem:s16], [sflag:$0x5], $0xF400, $0x38;
	[tilespmem:$0x1E800] =	vst v63  }
0x47: {  	_ =	swait.ge @!p0 [sflag:s17], $0xF400  }
0x48: {  	[sflag:s17] =	ssyncset.done @!p0 $0x0  }
0x49: {  	s18 =	simm.s32 @!p0 $0xF400;
	[sflag:s17] =	ssyncadd.s32 @!p0 $0xFFFF0C00  }
0x4a: {  	[tilespmem:s18], [sflag:$0x5] =	stream.linear.gather @!p0 [hbm4b:s5+s16], $0x2C00, $0x38;
	[tilespmem:$0x1E800] =	vst v63  }
0x4b: {  	s15 =	sadd.s32 $0x1, s15;
	_ =	swait.ge @!p0 [sflag:s17], $0x2C00  }
0x4c: {  	p1 =	sne.s32 s15, s7;
	[sflag:s17] =	ssyncset.done @!p0 $0x0  }
.Ltmp1:
0x4d: {  	[sflag:s17] =	ssyncadd.s32 @!p0 $0xFFFFD400;
	(pc) =	sbr.rel @p1 .LBB2_1-.Ltmp1, $4  }
0x4e: {  	[hbm4b:s6+s16] =	stream.linear.scatter @!p0 [tilespmem:s18], [sflag:$0x5], $0x2C00, $0x38;
	[tilespmem:$0x1E800] =	vst v63  }
0x4f: {  	_ =	swait.ge @!p0 [sflag:s17], $0x2C00  }
0x50: {  	[sflag:s17] =	ssyncset.done @!p0 $0x0  }
0x51: {  	[sflag:s17] =	ssyncadd.s32 @!p0 $0xFFFFD400  }
0x52: {  	_ =	sfence.sel $0x180000  }
0x53: {  	[bflag:$0x0] =	sbarrier.arrive $0xFFFF  }
0x54: {  	p0 =	sne.s32 s1, $0x0;
	_ =	strace $0x9000004A  }
0x55: {  	s0 =	sadd.s32 @!p0 $0x100000, s0;
	[bflag:$0x2] =	sbarrier.arrive $0xFFFF  }
0x56: {  	[sflag:s0] =	ssyncadd.tile.s32 @!p0 $0x1;
	_ =	shalt  }
.Lfunc_end2:
_tile_overlayer_lowered:
.L_overlay_start_2:
0x57: {  	(tag) =	ssettag $0x2  }
0x58: {  	s0 =	rddreg [dreg:$0x0];
	s2 =	stileid.u32  }
0x59: {  	s1 =	rddreg [dreg:$0x1];
	p0 =	sne.s32 s2, $0x0  }
0x5a: {  	s3 =	rddreg [dreg:$0x2];
	[bflag:$0x3] =	sbarrier.arrive $0xFFFF;
	s2 =	simm.s32 @!p0 $0x1C05  }
0x5b: {  	[timem:s3], [sflag:s2] =	dma.local @!p0 [hbm:s0], s1  }
0x5c: {  	s0 =	simm.s32 @!p0 $0x5  }
0x5d: {  	_ =	swait.ge @!p0 [sflag:s0], s1  }
0x5e: {  	s1 =	ssub.s32 @!p0 $0x0, s1;
	[sflag:s0] =	ssyncset.done @!p0 $0x0  }
0x5f: {  	[sflag:s0] =	ssyncadd.s32 @!p0 s1  }
0x60: {  	[bflag:$0x3] =	sbarrier.arrive $0xFFFF  }
0x61: {  	_ =	shalt  }

// kernel: kernel.13.cloned.1.call-start
scs
__scs_entry_jumppad:
0x0: {  	(pc) =	sbr.rel $0x88, $3  }
0x1: {  	(tag) =	ssettag $0x0;
	lr =	simm.s32 $0x1  }
0x2: {  	[smem:$0x3F97] =	sst lr;
	_ =	strace $0xD0000000  }
0x3: {  	_ = 	snop  }
0x4: {  	_ = 	snop  }
0x5: {  	_ = 	snop  }
0x6: {  	_ = 	snop  }
0x7: {  	_ = 	snop  }
__scs_overlays_trampoline_lowered:
0x8: {  	[smem:$0x3FA6] =	sst s0  }
0x9: {  	[smem:$0x3FA7] =	sst s1  }
0xa: {  	[smem:$0x3FA8] =	sst s2  }
0xb: {  	[smem:$0x3FA9] =	sst s3  }
0xc: {  	[smem:$0x3FAA] =	sst s4  }
0xd: {  	[smem:$0x3FAB] =	sst s5  }
0xe: {  	[smem:$0x3FAC] =	sst s6  }
0xf: {  	[smem:$0x3FAD] =	sst s7  }
0x10: {  	[smem:$0x3FAE] =	sst s8  }
0x11: {  	[smem:$0x3FAF] =	sst s9;
	s0 =	simm.s32 @!p0 $0x0  }
0x12: {  	s1 =	sld [smem:$0x3F95];
	s0 =	simm.s32 @p0 $0x1  }
0x13: {  	[smem:$0x3FB0] =	sst s0;
	s0 =	simm.s32 @!p1 $0x0  }
0x14: {  	s2 =	sld [smem:$0x3F94];
	s0 =	simm.s32 @p1 $0x1  }
0x15: {  	[smem:$0x3FB1] =	sst s0;
	s0 =	simm.s32 @!p2 $0x0  }
0x16: {  	s3 =	sld [smem:$0x3FDB];
	s0 =	simm.s32 @p2 $0x1  }
0x17: {  	s4 =	simm.s32 $0x1BF5;
	[smem:$0x3FB3] =	sst s0  }
0x18: {  	s0 =	sld [smem:$0x3F96];
	_ =	swait.ge [sflag:s4], $0x0  }
0x19: {  	s7 =	sld [smem:$0x3F97]  }
0x1a: {  	s8 =	sadd.s32 $0xFFFFE003, lr  }
0x1b: {  	s9 =	sadd.s32 $0xFFFFFEF7, lr;
	s5 =	simm.s32 $0xFFFFFFFF;
	p2 =	slt.u32 s8, $0xFFFFF086  }
0x1c: {  	p1 =	slt.u32 s9, $0xF7A;
	s5 =	simm.s32 @!p2 $0x0  }
0x1d: {  	s5 =	simm.s32 @p1 $0x1;
	p0 =	seq.s32 s7, s2  }
0x1e: {  	s7 =	smul.u32 @!p0 $0xF7A, s2;
	p2 =	seq.s32 @!p0 s5, $0x0  }
0x1f: {  	s9 =	smul.u32 $0xF7A, s1;
	s8 =	simm.s32 @!p0 $0x1BF5;
	p2 =	por !p2, p0  }
0x20: {  	[sflag:s8] =	ssyncset.s32 @!p0 $0xFFFFF086;
	s6 =	sadd.s32 @!p0 s3, s7;
	s7 =	simm.s32 @!p0 $0x108  }
0x21: {  	s3 =	sadd.s32 s3, s9;
	s6 =	sadd.s32 @!p0 $0x88, s6;
	s7 =	simm.s32 @p2 $0x1082  }
0x22: {  	[simem:s7], [sflag:s8] =	dma.local @!p0 [hbm:s6], $0xF7A  }
0x23: {  	s9 =	sor.u32 $0xD0000000, s2;
	s6 =	simm.s32 $0x108;
	_ =	swait.ge @!p0 [sflag:s8], $0x0  }
0x24: {  	s3 =	sadd.s32 $0x88, s3;
	s6 =	simm.s32 @!p1 $0x1082;
	[sflag:s4] =	ssyncset.s32 $0xFFFFF086  }
0x25: {  	[simem:s6], [sflag:s4] =	dma.local [hbm:s3], $0xF7A  }
0x26: {  	[smem:$0x3F97] =	sst s1;
	(tag) =	ssettag s2;
	_ =	strace s9  }
0x27: {  	s1 =	sld [smem:$0x3FA7]  }
0x28: {  	s2 =	sld [smem:$0x3FA8]  }
0x29: {  	s4 =	sld [smem:$0x3FAA]  }
0x2a: {  	p0 =	seq.s32 s5, $0x0;
	s5 =	sld [smem:$0x3FAB]  }
0x2b: {  	s6 =	sld [smem:$0x3FAC]  }
0x2c: {  	s7 =	sld [smem:$0x3FAD]  }
0x2d: {  	s3 =	simm.s32 $0x108;
	s8 =	sld [smem:$0x3FAE]  }
0x2e: {  	s3 =	simm.s32 @!p0 $0x1082;
	s9 =	sld [smem:$0x3FAF]  }
0x2f: {  	lr =	sadd.s32 s0, s3;
	s0 =	sld [smem:$0x3FA6]  }
0x30: {  	s3 =	sld [smem:$0x3FA9]  }
0x31: {  	[smem:$0x3FB2] =	sst s10  }
0x32: {  	s10 =	sld [smem:$0x3FB0];
	_ =	sdelay $0x3  }
0x33: {  	p0 =	seq.s32 s10, $0x1;
	s10 =	sld [smem:$0x3FB2];
	_ =	sdelay $0x3  }
0x34: {  	[smem:$0x3FB2] =	sst s10  }
0x35: {  	s10 =	sld [smem:$0x3FB1];
	_ =	sdelay $0x3  }
0x36: {  	p1 =	seq.s32 s10, $0x1;
	s10 =	sld [smem:$0x3FB2];
	_ =	sdelay $0x3  }
0x37: {  	[smem:$0x3FB2] =	sst s10  }
0x38: {  	s10 =	sld [smem:$0x3FB3]  }
0x39: {  	_ = 	snop;
	(pc) =	sbr.ind lr, $3  }
0x3a: {  	_ = 	snop  }
0x3b: {  	_ = 	snop  }
0x3c: {  	p2 =	seq.s32 s10, $0x1;
	s10 =	sld [smem:$0x3FB2]  }
0x3d: {  	_ =	shalt  }
0x3e: {  	_ =	shalt  }
0x3f: {  	_ =	shalt  }
0x40: {  	_ =	shalt  }
0x41: {  	_ =	shalt  }
0x42: {  	_ =	shalt  }
0x43: {  	_ =	shalt  }
0x44: {  	_ =	shalt  }
0x45: {  	_ =	shalt  }
0x46: {  	_ =	shalt  }
0x47: {  	_ =	shalt  }
0x48: {  	_ =	shalt  }
0x49: {  	_ =	shalt  }
0x4a: {  	_ =	shalt  }
0x4b: {  	_ =	shalt  }
0x4c: {  	_ =	shalt  }
0x4d: {  	_ =	shalt  }
0x4e: {  	_ =	shalt  }
0x4f: {  	_ =	shalt  }
0x50: {  	_ =	shalt  }
0x51: {  	_ =	shalt  }
0x52: {  	_ =	shalt  }
0x53: {  	_ =	shalt  }
0x54: {  	_ =	shalt  }
0x55: {  	_ =	shalt  }
0x56: {  	_ =	shalt  }
0x57: {  	_ =	shalt  }
0x58: {  	_ =	shalt  }
0x59: {  	_ =	shalt  }
0x5a: {  	_ =	shalt  }
0x5b: {  	_ =	shalt  }
0x5c: {  	_ =	shalt  }
0x5d: {  	_ =	shalt  }
0x5e: {  	_ =	shalt  }
0x5f: {  	_ =	shalt  }
0x60: {  	_ =	shalt  }
0x61: {  	_ =	shalt  }
0x62: {  	_ =	shalt  }
0x63: {  	_ =	shalt  }
0x64: {  	_ =	shalt  }
0x65: {  	_ =	shalt  }
0x66: {  	_ =	shalt  }
0x67: {  	_ =	shalt  }
0x68: {  	_ =	shalt  }
0x69: {  	_ =	shalt  }
0x6a: {  	_ =	shalt  }
0x6b: {  	_ =	shalt  }
0x6c: {  	_ =	shalt  }
0x6d: {  	_ =	shalt  }
0x6e: {  	_ =	shalt  }
0x6f: {  	_ =	shalt  }
0x70: {  	_ =	shalt  }
0x71: {  	_ =	shalt  }
0x72: {  	_ =	shalt  }
0x73: {  	_ =	shalt  }
0x74: {  	_ =	shalt  }
0x75: {  	_ =	shalt  }
0x76: {  	_ =	shalt  }
0x77: {  	_ =	shalt  }
0x78: {  	_ =	shalt  }
0x79: {  	_ =	shalt  }
0x7a: {  	_ =	shalt  }
0x7b: {  	_ =	shalt  }
0x7c: {  	_ =	shalt  }
0x7d: {  	_ =	shalt  }
0x7e: {  	_ =	shalt  }
0x7f: {  	_ =	shalt  }
0x80: {  	_ =	shalt  }
0x81: {  	_ =	shalt  }
0x82: {  	_ =	shalt  }
0x83: {  	_ =	shalt  }
0x84: {  	_ =	shalt  }
0x85: {  	_ =	shalt  }
0x86: {  	_ =	shalt  }
0x87: {  	_ =	shalt  }
.Lfunc_end0:
.L_simem_size_0:
called_computation.2_lowered:
.L_overlay_start_0:
0x88: {  	s2 =	sld [smem:$0x3FD9]  }
0x89: {  	s3 =	sld [smem:$0x3FFE];
	_ =	sdelay $0x1  }
0x8a: {  	s1 =	srdreg.scid  }
0x8b: {  	s0 =	sand.u32 $0x1, s1  }
0x8c: {  	s14 =	sshll.u32 s0, $0xA;
	s2 =	sadd.s32 s3, s2  }
0x8d: {  	s2 =	sadd.s32 s2, s14  }
0x8e: {  	[smem:$0x3FBE] =	sst s2  }
0x8f: {  	_ = 	snop  }
0x90: {  	s2 =	sld [smem:$0x3FD0];
	_ =	sdelay $0x2  }
0x91: {  	s4 =	simm.s32 $0xB;
	s5 =	simm.s32 $0x10;
	s15 =	sld [smem:$0x3FC8]  }
0x92: {  	[smem:s5], [sflag:s4] =	dma.local [hbm:s2], $0x1  }
0x93: {  	_ =	swait.eq [sflag:s4], $0x1  }
0x94: {  	[sflag:s4] =	ssyncset.done $0x0  }
0x95: {  	[sflag:s4] =	ssyncadd.s32 $0xFFFFFFFF  }
0x96: {  	s16 =	sld [smem:$0x11];
	(tm) =	ssettm $0x1  }
0x97: {  	s17 =	sld [smem:$0x3FFB];
	_ =	sdelay $0x3  }
0x98: {  	_ =	strace s17  }
0x99: {  	s4 =	sld [smem:$0x3FFC];
	_ =	sdelay $0x3  }
0x9a: {  	_ =	strace s4  }
0x9b: {  	s4 =	sld [smem:$0x3FFD];
	_ =	sdelay $0x3  }
0x9c: {  	_ =	strace s4  }
0x9d: {  	_ =	strace $0x8FFFFFFF  }
0x9e: {  	s18 =	sld [smem:$0x3FDB];
	_ =	sdelay $0x1  }
0x9f: {  	s19 =	simm.s32 $_scs_section_size  }
0xa0: {  	s6 =	simm.s32 $_size__tile_overlayer_lowered;
	s7 =	simm.s32 $_tile_overlayer_lowered  }
0xa1: {  	s22 =	simm.s32 $0x1BFF;
	s21 =	sshll.u32 s7, $0x1;
	s4 =	sadd.s32 s19, s18  }
0xa2: {  	s8 =	simm.s32 $0x0;
	s20 =	sshll.u32 s6, $0x1;
	s6 =	sadd.s32 s21, s4  }
0xa3: {  	[timem:s8], [sflag:s22] =	dma.local [hbm:s6], s20  }
0xa4: {  	_ =	swait.ge [sflag:s22], s20  }
0xa5: {  	s5 =	ssub.s32 $0x0, s20;
	[sflag:s22] =	ssyncset.done $0x0  }
0xa6: {  	[sflag:s22] =	ssyncadd.s32 s5;
	_ =	sdelay $0x1  }
0xa7: {  	s23 =	simm.s32 $0x1B8B  }
0xa8: {  	_ =	swait.ge [sflag:s23], $0x1  }
0xa9: {  	[sflag:s23] =	ssyncset.done $0x0  }
0xaa: {  	s25 =	simm.s32 $0x1B8E;
	s24 =	sld [smem:$0x3FFE];
	[sflag:s23] =	ssyncadd.s32 $0xFFFFFFFF  }
0xab: {  	s26 =	simm.s32 $execute0_lowered;
	[smem:$0x3FD2] =	sst s25  }
0xac: {  	s6 =	sshll.u32 s26, $0x1;
	_ =	strace $0x8000004C;
	[dreg:$0x1] =	wrdreg $0xFFFFFFFF  }
0xad: {  	s28 =	simm.s32 $_size_execute0_lowered;
	s4 =	sadd.s32 s4, s6;
	[dreg:$0x0] =	wrdreg $0x0  }
0xae: {  	s6 =	sshll.u32 s28, $0x1;
	[dreg:$0x2] =	wrdreg s4  }
0xaf: {  	[dreg:$0x3] =	wrdreg s6  }
0xb0: {  	[dreg:$0x4] =	wrdreg $0xC0  }
0xb1: {  	_ =	task [dreg:s8], $0x5FFFF  }
0xb2: {  	[dreg:$0x1] =	wrdreg $0xFFFFFFFF  }
0xb3: {  	[dreg:$0x0] =	wrdreg $0x60  }
0xb4: {  	[dreg:$0x2] =	wrdreg s24  }
0xb5: {  	[dreg:$0x3] =	wrdreg s15  }
0xb6: {  	[dreg:$0x4] =	wrdreg s16  }
0xb7: {  	[dreg:$0x5] =	wrdreg $0x9  }
0xb8: {  	_ =	task.clear_ibuf [dreg:s8], $0x6FFFF;
	_ =	strace $0x9000004C  }
0xb9: {  	s29 =	simm.s32 $0x9;
	_ =	strace $0x8000004E  }
0xba: {  	_ =	swait.ge [sflag:s29], $0x1  }
0xbb: {  	[sflag:s29] =	ssyncadd.s32 $0xFFFFFFFF  }
0xbc: {  	_ =	strace $0x9000004E  }
0xbd: {  	_ =	sfence  }
0xbe: {  	s30 =	sld [smem:$0x0];
	_ =	sdelay $0x2  }
0xbf: {  	s31 =	sshll.u32 s1, $0xD;
	s1 =	sshrl.u32 s1, $0x2  }
0xc0: {  	s3 =	sand.u32 $0x4000, s31;
	s1 =	sadd.s32 s1, s30  }
0xc1: {  	s0 =	sor.u32 s3, s0;
	s1 =	sshll.u32 s1, $0x11  }
0xc2: {  	s0 =	sor.u32 s1, s0  }
0xc3: {  	s0 =	sadd.s32 $0x8F2B, s0  }
0xc4: {  	[sflag:s0] =	ssyncadd.remote.s32 $0x1  }
0xc5: {  	_ =	sfence.sel $0xFFFF  }
0xc6: {  	[dreg:$0x0] =	wrdreg $0xFFFFFFFF;
	(pc) =	sbr.abs _section_cstart, $3  }
0xc7: {  	[dreg:$0x1] =	wrdreg $0xFFFFFFFF  }
0xc8: {  	_ =	task.clear_ibuf [dreg:s8], $0x2FFFF;
	_ =	strace $0x9FFFFFFF  }
0xc9: {  	(tm) =	ssettm $0x7FFFFFFF  }
tec
execute0_lowered:
.L_overlay_start_1:
0x0: {  	(tag) =	ssettag $0x1  }
0x1: {  	s6 =	rddreg [dreg:$0x0];
	s1 =	srdreg.scid  }
0x2: {  	s4 =	rddreg [dreg:$0x1];
	s0 =	stileid.u32  }
0x3: {  	s2 =	rddreg [dreg:$0x2];
	s3 =	simm.s32 $0x0;
	s7 =	sand.u32 $0x1, s1  }
0x4: {  	s5 =	sshll.u32 s0, $0x8;
	s1 =	rddreg [dreg:$0x3];
	s8 =	sshll.u32 s7, $0x7  }
0x5: {  	[smem:$0x7FF] =	sst s3;
	s8 =	sor.u32 s8, s5  }
0x6: {  	_ =	strace $0x8000004D;
	s31 =	ssub.s32 $0x2, s7;
	s5 =	sshrl.u32 s8, $0x3  }
0x7: {  	s7 =	simm.s32 $0x80;
	s4 =	sadd.s32 s4, s5;
	s5 =	simm.s32 $0x2  }
0x8: {  	[tilespmem:s3], [sflag:$0x2] =	stream.linear.gather [hbm4b:s4+s3], $0x80, $0x38;
	[tilespmem:$0x4080] =	vst v63  }
0x9: {  	s9 =	sshrl.u32 s31, $0x1;
	s8 =	sshll.u32 s8, $0x4;
	_ =	swait.ge [sflag:s5], $0x80  }
0xa: {  	s6 =	sadd.s32 s8, s6;
	s8 =	ssub.s32 s31, s9;
	[sflag:s5] =	ssyncset.done $0x0  }
0xb: {  	s6 =	sadd.s32 $0x50000, s6;
	s9 =	smax.u32 s8, $0x1;
	[sflag:s5] =	ssyncadd.s32 $0xFFFFFF80  }
0xc: {  	[tilespmem:s7], [sflag:$0x2] =	stream.linear.gather [hbm4b:s6+s3], $0x4000, $0x38;
	[tilespmem:$0x4080] =	vst v63  }
0xd: {  	p0 =	sne.s32 s9, $0x1;
	_ =	swait.ge [sflag:s5], $0x4000  }
.Ltmp0:
0xe: {  	[sflag:s5] =	ssyncset.done $0x0;
	(pc) =	sbr.rel @!p0 .LBB2_2-.Ltmp0, $4  }
0xf: {  	s8 =	simm.s32 $0x1;
	[sflag:s5] =	ssyncadd.s32 $0xFFFFC000  }
0x10: {  	[hbm4b:s2+s7] =	stream.indirect.scatter [tilespmem:s7], [sflag:$0x1], $0x80, s3, s7, $0xb8;
	[tilespmem:$0x4080] =	vst v63  }
0x11: {  	_ =	swait.ge [sflag:s8], $0x4000  }
0x12: {  	s9 =	sadd.s32 $0xFFFFFFFF, s9;
	[sflag:s8] =	ssyncset.done $0x0  }
.LBB2_1:
0x13: {  	p0 =	sne.s32 s9, $0x1;
	s9 =	sadd.s32 $0xFFFFFFFF, s9;
	[sflag:s8] =	ssyncadd.s32 $0xFFFFC000  }
0x14: {  	[tilespmem:s3], [sflag:$0x2] =	stream.linear.gather [hbm4b:s4+s3], $0x80, $0x38;
	[tilespmem:$0x4080] =	vst v63  }
0x15: {  	_ =	swait.ge [sflag:s5], $0x80  }
0x16: {  	[sflag:s5] =	ssyncset.done $0x0  }
0x17: {  	[sflag:s5] =	ssyncadd.s32 $0xFFFFFF80  }
0x18: {  	[tilespmem:s7], [sflag:$0x2] =	stream.linear.gather [hbm4b:s6+s3], $0x4000, $0x38;
	[tilespmem:$0x4080] =	vst v63  }
0x19: {  	_ =	swait.ge [sflag:s5], $0x4000  }
.Ltmp1:
0x1a: {  	[sflag:s5] =	ssyncset.done $0x0;
	(pc) =	sbr.rel @p0 .LBB2_1-.Ltmp1, $4  }
0x1b: {  	[sflag:s5] =	ssyncadd.s32 $0xFFFFC000  }
0x1c: {  	[hbm4b:s2+s7] =	stream.indirect.scatter [tilespmem:s7], [sflag:$0x1], $0x80, s3, s7, $0xb8;
	[tilespmem:$0x4080] =	vst v63  }
0x1d: {  	_ =	swait.ge [sflag:s8], $0x4000  }
0x1e: {  	[sflag:s8] =	ssyncset.done $0x0  }
.LBB2_2:
0x1f: {  	[sflag:s8] =	ssyncadd.s32 $0xFFFFC000  }
0x20: {  	_ =	sfence.sel $0x180000  }
0x21: {  	[bflag:$0x0] =	sbarrier.arrive $0xFFFF  }
0x22: {  	p0 =	sne.s32 s0, $0x0;
	_ =	strace $0x9000004D  }
0x23: {  	s0 =	sadd.s32 @!p0 $0x100000, s1;
	[bflag:$0x2] =	sbarrier.arrive $0xFFFF  }
0x24: {  	[sflag:s0] =	ssyncadd.tile.s32 @!p0 $0x1;
	_ =	shalt  }
.Lfunc_end2:
_tile_overlayer_lowered:
.L_overlay_start_2:
0x25: {  	(tag) =	ssettag $0x2  }
0x26: {  	s0 =	rddreg [dreg:$0x0];
	s2 =	stileid.u32  }
0x27: {  	s1 =	rddreg [dreg:$0x1];
	p0 =	sne.s32 s2, $0x0  }
0x28: {  	s3 =	rddreg [dreg:$0x2];
	[bflag:$0x3] =	sbarrier.arrive $0xFFFF;
	s2 =	simm.s32 @!p0 $0x1C02  }
0x29: {  	[timem:s3], [sflag:s2] =	dma.local @!p0 [hbm:s0], s1  }
0x2a: {  	s0 =	simm.s32 @!p0 $0x2  }
0x2b: {  	_ =	swait.ge @!p0 [sflag:s0], s1  }
0x2c: {  	s1 =	ssub.s32 @!p0 $0x0, s1;
	[sflag:s0] =	ssyncset.done @!p0 $0x0  }
0x2d: {  	[sflag:s0] =	ssyncadd.s32 @!p0 s1  }
0x2e: {  	[bflag:$0x3] =	sbarrier.arrive $0xFFFF  }
0x2f: {  	_ =	shalt  }

// kernel: kernel.7.cloned.1.call-start
scs
__scs_entry_jumppad:
0x0: {  	(pc) =	sbr.rel $0x88, $3  }
0x1: {  	(tag) =	ssettag $0x0;
	lr =	simm.s32 $0x1  }
0x2: {  	[smem:$0x3F97] =	sst lr;
	_ =	strace $0xD0000000  }
0x3: {  	_ = 	snop  }
0x4: {  	_ = 	snop  }
0x5: {  	_ = 	snop  }
0x6: {  	_ = 	snop  }
0x7: {  	_ = 	snop  }
__scs_overlays_trampoline_lowered:
0x8: {  	[smem:$0x3FA6] =	sst s0  }
0x9: {  	[smem:$0x3FA7] =	sst s1  }
0xa: {  	[smem:$0x3FA8] =	sst s2  }
0xb: {  	[smem:$0x3FA9] =	sst s3  }
0xc: {  	[smem:$0x3FAA] =	sst s4  }
0xd: {  	[smem:$0x3FAB] =	sst s5  }
0xe: {  	[smem:$0x3FAC] =	sst s6  }
0xf: {  	[smem:$0x3FAD] =	sst s7  }
0x10: {  	[smem:$0x3FAE] =	sst s8  }
0x11: {  	[smem:$0x3FAF] =	sst s9;
	s0 =	simm.s32 @!p0 $0x0  }
0x12: {  	s1 =	sld [smem:$0x3F95];
	s0 =	simm.s32 @p0 $0x1  }
0x13: {  	[smem:$0x3FB0] =	sst s0;
	s0 =	simm.s32 @!p1 $0x0  }
0x14: {  	s2 =	sld [smem:$0x3F94];
	s0 =	simm.s32 @p1 $0x1  }
0x15: {  	[smem:$0x3FB1] =	sst s0;
	s0 =	simm.s32 @!p2 $0x0  }
0x16: {  	s3 =	sld [smem:$0x3FDB];
	s0 =	simm.s32 @p2 $0x1  }
0x17: {  	s4 =	simm.s32 $0x1BF5;
	[smem:$0x3FB3] =	sst s0  }
0x18: {  	s0 =	sld [smem:$0x3F96];
	_ =	swait.ge [sflag:s4], $0x0  }
0x19: {  	s7 =	sld [smem:$0x3F97]  }
0x1a: {  	s8 =	sadd.s32 $0xFFFFE003, lr  }
0x1b: {  	s9 =	sadd.s32 $0xFFFFFEF7, lr;
	s5 =	simm.s32 $0xFFFFFFFF;
	p2 =	slt.u32 s8, $0xFFFFF086  }
0x1c: {  	p1 =	slt.u32 s9, $0xF7A;
	s5 =	simm.s32 @!p2 $0x0  }
0x1d: {  	s5 =	simm.s32 @p1 $0x1;
	p0 =	seq.s32 s7, s2  }
0x1e: {  	s7 =	smul.u32 @!p0 $0xF7A, s2;
	p2 =	seq.s32 @!p0 s5, $0x0  }
0x1f: {  	s9 =	smul.u32 $0xF7A, s1;
	s8 =	simm.s32 @!p0 $0x1BF5;
	p2 =	por !p2, p0  }
0x20: {  	[sflag:s8] =	ssyncset.s32 @!p0 $0xFFFFF086;
	s6 =	sadd.s32 @!p0 s3, s7;
	s7 =	simm.s32 @!p0 $0x108  }
0x21: {  	s3 =	sadd.s32 s3, s9;
	s6 =	sadd.s32 @!p0 $0x88, s6;
	s7 =	simm.s32 @p2 $0x1082  }
0x22: {  	[simem:s7], [sflag:s8] =	dma.local @!p0 [hbm:s6], $0xF7A  }
0x23: {  	s9 =	sor.u32 $0xD0000000, s2;
	s6 =	simm.s32 $0x108;
	_ =	swait.ge @!p0 [sflag:s8], $0x0  }
0x24: {  	s3 =	sadd.s32 $0x88, s3;
	s6 =	simm.s32 @!p1 $0x1082;
	[sflag:s4] =	ssyncset.s32 $0xFFFFF086  }
0x25: {  	[simem:s6], [sflag:s4] =	dma.local [hbm:s3], $0xF7A  }
0x26: {  	[smem:$0x3F97] =	sst s1;
	(tag) =	ssettag s2;
	_ =	strace s9  }
0x27: {  	s1 =	sld [smem:$0x3FA7]  }
0x28: {  	s2 =	sld [smem:$0x3FA8]  }
0x29: {  	s4 =	sld [smem:$0x3FAA]  }
0x2a: {  	p0 =	seq.s32 s5, $0x0;
	s5 =	sld [smem:$0x3FAB]  }
0x2b: {  	s6 =	sld [smem:$0x3FAC]  }
0x2c: {  	s7 =	sld [smem:$0x3FAD]  }
0x2d: {  	s3 =	simm.s32 $0x108;
	s8 =	sld [smem:$0x3FAE]  }
0x2e: {  	s3 =	simm.s32 @!p0 $0x1082;
	s9 =	sld [smem:$0x3FAF]  }
0x2f: {  	lr =	sadd.s32 s0, s3;
	s0 =	sld [smem:$0x3FA6]  }
0x30: {  	s3 =	sld [smem:$0x3FA9]  }
0x31: {  	[smem:$0x3FB2] =	sst s10  }
0x32: {  	s10 =	sld [smem:$0x3FB0];
	_ =	sdelay $0x3  }
0x33: {  	p0 =	seq.s32 s10, $0x1;
	s10 =	sld [smem:$0x3FB2];
	_ =	sdelay $0x3  }
0x34: {  	[smem:$0x3FB2] =	sst s10  }
0x35: {  	s10 =	sld [smem:$0x3FB1];
	_ =	sdelay $0x3  }
0x36: {  	p1 =	seq.s32 s10, $0x1;
	s10 =	sld [smem:$0x3FB2];
	_ =	sdelay $0x3  }
0x37: {  	[smem:$0x3FB2] =	sst s10  }
0x38: {  	s10 =	sld [smem:$0x3FB3]  }
0x39: {  	_ = 	snop;
	(pc) =	sbr.ind lr, $3  }
0x3a: {  	_ = 	snop  }
0x3b: {  	_ = 	snop  }
0x3c: {  	p2 =	seq.s32 s10, $0x1;
	s10 =	sld [smem:$0x3FB2]  }
0x3d: {  	_ =	shalt  }
0x3e: {  	_ =	shalt  }
0x3f: {  	_ =	shalt  }
0x40: {  	_ =	shalt  }
0x41: {  	_ =	shalt  }
0x42: {  	_ =	shalt  }
0x43: {  	_ =	shalt  }
0x44: {  	_ =	shalt  }
0x45: {  	_ =	shalt  }
0x46: {  	_ =	shalt  }
0x47: {  	_ =	shalt  }
0x48: {  	_ =	shalt  }
0x49: {  	_ =	shalt  }
0x4a: {  	_ =	shalt  }
0x4b: {  	_ =	shalt  }
0x4c: {  	_ =	shalt  }
0x4d: {  	_ =	shalt  }
0x4e: {  	_ =	shalt  }
0x4f: {  	_ =	shalt  }
0x50: {  	_ =	shalt  }
0x51: {  	_ =	shalt  }
0x52: {  	_ =	shalt  }
0x53: {  	_ =	shalt  }
0x54: {  	_ =	shalt  }
0x55: {  	_ =	shalt  }
0x56: {  	_ =	shalt  }
0x57: {  	_ =	shalt  }
0x58: {  	_ =	shalt  }
0x59: {  	_ =	shalt  }
0x5a: {  	_ =	shalt  }
0x5b: {  	_ =	shalt  }
0x5c: {  	_ =	shalt  }
0x5d: {  	_ =	shalt  }
0x5e: {  	_ =	shalt  }
0x5f: {  	_ =	shalt  }
0x60: {  	_ =	shalt  }
0x61: {  	_ =	shalt  }
0x62: {  	_ =	shalt  }
0x63: {  	_ =	shalt  }
0x64: {  	_ =	shalt  }
0x65: {  	_ =	shalt  }
0x66: {  	_ =	shalt  }
0x67: {  	_ =	shalt  }
0x68: {  	_ =	shalt  }
0x69: {  	_ =	shalt  }
0x6a: {  	_ =	shalt  }
0x6b: {  	_ =	shalt  }
0x6c: {  	_ =	shalt  }
0x6d: {  	_ =	shalt  }
0x6e: {  	_ =	shalt  }
0x6f: {  	_ =	shalt  }
0x70: {  	_ =	shalt  }
0x71: {  	_ =	shalt  }
0x72: {  	_ =	shalt  }
0x73: {  	_ =	shalt  }
0x74: {  	_ =	shalt  }
0x75: {  	_ =	shalt  }
0x76: {  	_ =	shalt  }
0x77: {  	_ =	shalt  }
0x78: {  	_ =	shalt  }
0x79: {  	_ =	shalt  }
0x7a: {  	_ =	shalt  }
0x7b: {  	_ =	shalt  }
0x7c: {  	_ =	shalt  }
0x7d: {  	_ =	shalt  }
0x7e: {  	_ =	shalt  }
0x7f: {  	_ =	shalt  }
0x80: {  	_ =	shalt  }
0x81: {  	_ =	shalt  }
0x82: {  	_ =	shalt  }
0x83: {  	_ =	shalt  }
0x84: {  	_ =	shalt  }
0x85: {  	_ =	shalt  }
0x86: {  	_ =	shalt  }
0x87: {  	_ =	shalt  }
.Lfunc_end0:
.L_simem_size_0:
called_computation_lowered:
.L_overlay_start_0:
0x88: {  	s2 =	sld [smem:$0x3FD9]  }
0x89: {  	s3 =	sld [smem:$0x3FFE];
	_ =	sdelay $0x1  }
0x8a: {  	s1 =	srdreg.scid  }
0x8b: {  	s0 =	sand.u32 $0x1, s1  }
0x8c: {  	s17 =	sshll.u32 s0, $0xA;
	s2 =	sadd.s32 s3, s2  }
0x8d: {  	s2 =	sadd.s32 s2, s17  }
0x8e: {  	[smem:$0x3FBE] =	sst s2  }
0x8f: {  	_ = 	snop  }
0x90: {  	s2 =	sld [smem:$0x3FC8]  }
0x91: {  	s18 =	sld [smem:$0x3FC5];
	(tm) =	ssettm $0x1  }
0x92: {  	s4 =	sld [smem:$0x3FFB];
	_ =	sdelay $0x3  }
0x93: {  	_ =	strace s4  }
0x94: {  	s4 =	sld [smem:$0x3FFC];
	_ =	sdelay $0x3  }
0x95: {  	_ =	strace s4  }
0x96: {  	s4 =	sld [smem:$0x3FFD];
	_ =	sdelay $0x3  }
0x97: {  	_ =	strace s4  }
0x98: {  	_ =	strace $0x8FFFFFFF  }
0x99: {  	s19 =	sld [smem:$0x3FDB];
	_ =	sdelay $0x1  }
0x9a: {  	s5 =	simm.s32 $_scs_section_size  }
0x9b: {  	s6 =	simm.s32 $_size__tile_overlayer_lowered;
	s7 =	simm.s32 $_tile_overlayer_lowered  }
0x9c: {  	s22 =	simm.s32 $0x1BFF;
	s21 =	sshll.u32 s7, $0x1;
	s4 =	sadd.s32 s5, s19  }
0x9d: {  	s8 =	simm.s32 $0x0;
	s20 =	sshll.u32 s6, $0x1;
	s6 =	sadd.s32 s21, s4  }
0x9e: {  	[timem:s8], [sflag:s22] =	dma.local [hbm:s6], s20  }
0x9f: {  	_ =	swait.ge [sflag:s22], s20  }
0xa0: {  	s5 =	ssub.s32 $0x0, s20;
	[sflag:s22] =	ssyncset.done $0x0  }
0xa1: {  	[sflag:s22] =	ssyncadd.s32 s5;
	_ =	sdelay $0x1  }
0xa2: {  	s23 =	simm.s32 $0x1B8B  }
0xa3: {  	_ =	swait.ge [sflag:s23], $0x1  }
0xa4: {  	[sflag:s23] =	ssyncset.done $0x0  }
0xa5: {  	s25 =	simm.s32 $0x1B8E;
	s24 =	sld [smem:$0x3FFE];
	[sflag:s23] =	ssyncadd.s32 $0xFFFFFFFF  }
0xa6: {  	s26 =	simm.s32 $execute0_lowered;
	[smem:$0x3FD2] =	sst s25  }
0xa7: {  	s6 =	sshll.u32 s26, $0x1;
	_ =	strace $0x80000046;
	[dreg:$0x1] =	wrdreg $0xFFFFFFFF  }
0xa8: {  	s28 =	simm.s32 $_size_execute0_lowered;
	s4 =	sadd.s32 s4, s6;
	[dreg:$0x0] =	wrdreg $0x0  }
0xa9: {  	s6 =	sshll.u32 s28, $0x1;
	[dreg:$0x2] =	wrdreg s4  }
0xaa: {  	[dreg:$0x3] =	wrdreg s6  }
0xab: {  	[dreg:$0x4] =	wrdreg $0xC0  }
0xac: {  	_ =	task [dreg:s8], $0x5FFFF  }
0xad: {  	[dreg:$0x1] =	wrdreg $0xFFFFFFFF  }
0xae: {  	[dreg:$0x0] =	wrdreg $0x60  }
0xaf: {  	[dreg:$0x2] =	wrdreg s18  }
0xb0: {  	[dreg:$0x3] =	wrdreg s2  }
0xb1: {  	[dreg:$0x4] =	wrdreg s24  }
0xb2: {  	[dreg:$0x5] =	wrdreg $0x9  }
0xb3: {  	_ =	task.clear_ibuf [dreg:s8], $0x6FFFF;
	_ =	strace $0x90000046  }
0xb4: {  	s29 =	simm.s32 $0x9;
	_ =	strace $0x80000048  }
0xb5: {  	_ =	swait.ge [sflag:s29], $0x1  }
0xb6: {  	[sflag:s29] =	ssyncadd.s32 $0xFFFFFFFF  }
0xb7: {  	_ =	strace $0x90000048  }
0xb8: {  	_ =	sfence  }
0xb9: {  	s30 =	sld [smem:$0x0];
	_ =	sdelay $0x2  }
0xba: {  	s31 =	sshll.u32 s1, $0xD;
	s1 =	sshrl.u32 s1, $0x2  }
0xbb: {  	s3 =	sand.u32 $0x4000, s31;
	s1 =	sadd.s32 s1, s30  }
0xbc: {  	s0 =	sor.u32 s3, s0;
	s1 =	sshll.u32 s1, $0x11  }
0xbd: {  	s0 =	sor.u32 s1, s0  }
0xbe: {  	s0 =	sadd.s32 $0x8F2B, s0  }
0xbf: {  	[sflag:s0] =	ssyncadd.remote.s32 $0x1  }
0xc0: {  	_ =	sfence.sel $0xFFFF  }
0xc1: {  	[dreg:$0x0] =	wrdreg $0xFFFFFFFF;
	(pc) =	sbr.abs _section_cstart, $3  }
0xc2: {  	[dreg:$0x1] =	wrdreg $0xFFFFFFFF  }
0xc3: {  	_ =	task.clear_ibuf [dreg:s8], $0x2FFFF;
	_ =	strace $0x9FFFFFFF  }
0xc4: {  	(tm) =	ssettm $0x7FFFFFFF  }
0xc5: {  	_ =	shalt  }
tec
execute0_lowered:
.L_overlay_start_1:
0x0: {  	(tag) =	ssettag $0x1  }
0x1: {  	s1 =	rddreg [dreg:$0x0]  }
0x2: {  	s2 =	srdreg.scid;
	s4 =	rddreg [dreg:$0x1]  }
0x3: {  	s0 =	stileid.u32;
	s8 =	rddreg [dreg:$0x2];
	s6 =	sand.u32 $0x1, s2  }
0x4: {  	s3 =	simm.s32 $0x0;
	s5 =	sshll.u32 s0, $0x8;
	s7 =	sshll.u32 s6, $0x7  }
0x5: {  	[smem:$0x7FF] =	sst s3;
	s9 =	sor.u32 s7, s5  }
0x6: {  	s2 =	rddreg [dreg:$0x3];
	_ =	strace $0x80000047;
	s5 =	sshrl.u32 s9, $0x3  }
0x7: {  	s10 =	ssub.s32 $0x2, s6;
	s5 =	sadd.s32 s4, s5;
	s4 =	simm.s32 $0x2  }
0x8: {  	[tilespmem:s3], [sflag:$0x2] =	stream.linear.gather [hbm4b:s5+s3], $0x80, $0x38;
	[tilespmem:$0x4080] =	vst v63  }
0x9: {  	s11 =	sshrl.u32 s10, $0x1;
	_ =	swait.ge [sflag:s4], $0x80  }
0xa: {  	s6 =	simm.s32 $0x80;
	s10 =	ssub.s32 s10, s11;
	[sflag:s4] =	ssyncset.done $0x0  }
0xb: {  	s7 =	simm.s32 $0x1;
	s31 =	smax.u32 s10, $0x1;
	[sflag:s4] =	ssyncadd.s32 $0xFFFFFF80  }
0xc: {  	[tilespmem:s6], [sflag:$0x1] =	stream.indirect.gather [hbm4b:s1+s6], $0x80, s3, s6, $0xb8;
	[tilespmem:$0x4080] =	vst v63  }
0xd: {  	p0 =	sne.s32 s31, $0x1;
	_ =	swait.ge [sflag:s7], $0x4000  }
.Ltmp0:
0xe: {  	s9 =	sshll.u32 s9, $0x4;
	[sflag:s7] =	ssyncset.done $0x0;
	(pc) =	sbr.rel @!p0 .LBB2_2-.Ltmp0, $4  }
0xf: {  	s8 =	sadd.s32 s8, s9;
	[sflag:s7] =	ssyncadd.s32 $0xFFFFC000  }
0x10: {  	[hbm4b:s8+s3] =	stream.linear.scatter [tilespmem:s6], [sflag:$0x2], $0x4000, $0x38;
	[tilespmem:$0x4080] =	vst v63  }
0x11: {  	_ =	swait.ge [sflag:s4], $0x4000  }
0x12: {  	s9 =	sadd.s32 $0xFFFFFFFF, s31;
	[sflag:s4] =	ssyncset.done $0x0  }
.LBB2_1:
0x13: {  	p0 =	sne.s32 s9, $0x1;
	s9 =	sadd.s32 $0xFFFFFFFF, s9;
	[sflag:s4] =	ssyncadd.s32 $0xFFFFC000  }
0x14: {  	[tilespmem:s3], [sflag:$0x2] =	stream.linear.gather [hbm4b:s5+s3], $0x80, $0x38;
	[tilespmem:$0x4080] =	vst v63  }
0x15: {  	_ =	swait.ge [sflag:s4], $0x80  }
0x16: {  	[sflag:s4] =	ssyncset.done $0x0  }
0x17: {  	[sflag:s4] =	ssyncadd.s32 $0xFFFFFF80  }
0x18: {  	[tilespmem:s6], [sflag:$0x1] =	stream.indirect.gather [hbm4b:s1+s6], $0x80, s3, s6, $0xb8;
	[tilespmem:$0x4080] =	vst v63  }
0x19: {  	_ =	swait.ge [sflag:s7], $0x4000  }
.Ltmp1:
0x1a: {  	[sflag:s7] =	ssyncset.done $0x0;
	(pc) =	sbr.rel @p0 .LBB2_1-.Ltmp1, $4  }
0x1b: {  	[sflag:s7] =	ssyncadd.s32 $0xFFFFC000  }
0x1c: {  	[hbm4b:s8+s3] =	stream.linear.scatter [tilespmem:s6], [sflag:$0x2], $0x4000, $0x38;
	[tilespmem:$0x4080] =	vst v63  }
0x1d: {  	_ =	swait.ge [sflag:s4], $0x4000  }
0x1e: {  	[sflag:s4] =	ssyncset.done $0x0  }
.LBB2_2:
0x1f: {  	[sflag:s4] =	ssyncadd.s32 $0xFFFFC000  }
0x20: {  	_ =	sfence.sel $0x180000  }
0x21: {  	[bflag:$0x0] =	sbarrier.arrive $0xFFFF  }
0x22: {  	p0 =	sne.s32 s0, $0x0;
	_ =	strace $0x90000047  }
0x23: {  	s0 =	sadd.s32 @!p0 $0x100000, s2;
	[bflag:$0x2] =	sbarrier.arrive $0xFFFF  }
0x24: {  	[sflag:s0] =	ssyncadd.tile.s32 @!p0 $0x1;
	_ =	shalt  }
.Lfunc_end2:
_tile_overlayer_lowered:
.L_overlay_start_2:
0x25: {  	(tag) =	ssettag $0x2  }
0x26: {  	s0 =	rddreg [dreg:$0x0];
	s2 =	stileid.u32  }
0x27: {  	s1 =	rddreg [dreg:$0x1];
	p0 =	sne.s32 s2, $0x0  }
0x28: {  	s3 =	rddreg [dreg:$0x2];
	[bflag:$0x3] =	sbarrier.arrive $0xFFFF;
	s2 =	simm.s32 @!p0 $0x1C02  }
0x29: {  	[timem:s3], [sflag:s2] =	dma.local @!p0 [hbm:s0], s1  }
0x2a: {  	s0 =	simm.s32 @!p0 $0x2  }
0x2b: {  	_ =	swait.ge @!p0 [sflag:s0], s1  }
0x2c: {  	s1 =	ssub.s32 @!p0 $0x0, s1;
	[sflag:s0] =	ssyncset.done @!p0 $0x0  }
0x2d: {  	[sflag:s0] =	ssyncadd.s32 @!p0 s1  }
0x2e: {  	[bflag:$0x3] =	sbarrier.arrive $0xFFFF  }
0x2f: {  	_ =	shalt  }

</sc_bundles>
